<compile_context>
chip_gen: v7x
topology: tpu7x:2x2x1
jax: 0.10.2.dev20260603
libtpu: 0.0.44.dev20260713+nightly
codegen_flags: <defaults>
</compile_context>

<pallas_src>
import functools

import jax
import jax.numpy as jnp
from jax import lax
from jax.experimental import pallas as pl
from jax.experimental.pallas import tpu as pltpu
from jax.experimental.pallas import tpu_sc as plsc

_NC, _NS = 2, 16
_NW = _NC * _NS
_IW = 128


def _mesh():
    return plsc.VectorSubcoreMesh(
        core_axis_name="c", subcore_axis_name="s",
        num_cores=_NC, num_subcores=_NS)


def _sc_relayout(tt, V, d):
    U = V * d // _IW
    nt = V // _IW
    cb = 1
    wv = cb * _IW
    ng = nt // cb
    per_w = ng // _NW
    rem = ng - per_w * _NW
    nstep = ((per_w + 2) // 2) * 2

    @functools.partial(
        pl.kernel,
        out_type=jax.ShapeDtypeStruct((U, _IW), jnp.float32),
        mesh=_mesh(),
        scratch_types=[
            pltpu.VMEM((2, cb, d, _IW), jnp.float32),
            pltpu.VMEM((2, wv * d // _IW, _IW), jnp.float32),
            [pltpu.SemaphoreType.DMA] * 2,
            [pltpu.SemaphoreType.DMA] * 2,
        ],
        compiler_params=pltpu.CompilerParams(
            use_tc_tiling_on_sc=True, needs_layout_passes=False),
    )
    def k(tt_hbm, out_hbm, ib, ob, isem, osem):
        wid = lax.axis_index("s") * _NC + lax.axis_index("c")
        extra = jnp.where(wid < rem, 1, 0)
        ct0 = wid * per_w + jnp.minimum(wid, rem)
        nct = per_w + extra

        f16a = lax.iota(jnp.int32, 16)
        z16 = f16a * 0
        fa = f16a * _IW
        fb = fa + 16 * _IW

        def in_strip(i, st):
            return tt_hbm.at[:, pl.ds(((ct0 + i) * cb + st) * _IW, _IW)]

        def out_slice(i):
            return out_hbm.at[pl.ds((ct0 + i) * (wv * d // _IW), wv * d // _IW)]

        def start_in(i, b):
            for st in range(cb):
                pltpu.async_copy(in_strip(i, st), ib.at[b, st], isem[b])

        def wait_in(i, b):
            for st in range(cb):
                pltpu.make_async_copy(in_strip(i, st), ib.at[b, st],
                                      isem[b]).wait()

        def shuffle(src, dst):
            @plsc.parallel_loop(0, wv, step=1, unroll=8)
            def _(vl):
                base = vl + (vl // _IW) * (d * _IW - _IW)
                row = vl // 4
                col = (vl % 4) * 32
                dst[row, pl.ds(col, 16)] = plsc.load_gather(
                    src, [z16, z16, fa + base])
                dst[row, pl.ds(col + 16, 16)] = plsc.load_gather(
                    src, [z16, z16, fb + base])

        for b in range(2):
            @pl.when(b < nct)
            def _():
                start_in(b, b)

        def body(i2, carry):
            for b in range(2):
                i = i2 * 2 + b

                @pl.when(i < nct)
                def _():
                    wait_in(i, b)

                    @pl.when(i >= 2)
                    def _():
                        pltpu.make_async_copy(
                            ob.at[b], out_slice(i - 2), osem[b]).wait()

                    shuffle(ib.at[b], ob.at[b])
                    pltpu.async_copy(ob.at[b], out_slice(i), osem[b])

                    @pl.when(i + 2 < nct)
                    def _():
                        start_in(i + 2, b)
            return carry

        lax.fori_loop(0, nstep // 2, body, 0)

        for b in range(2):
            lb = jnp.where((nct - 1) % 2 == b, nct - 1, nct - 2)

            @pl.when(lb >= 0)
            def _():
                pltpu.make_async_copy(
                    ob.at[b], out_slice(lb), osem[b]).wait()


    return k(tt)


def _sc_gather(idx2d, table, n_rows, d):
    rpw = n_rows // _NW
    nbuf = 4
    nouter = rpw // nbuf

    @functools.partial(
        pl.kernel,
        out_type=jax.ShapeDtypeStruct((n_rows, _IW, d), jnp.float32),
        mesh=_mesh(),
        scratch_types=[
            pltpu.VMEM((rpw, _IW), jnp.int32),
            pltpu.VMEM((nbuf, _IW, d), jnp.float32),
            [pltpu.SemaphoreType.DMA] * nbuf,
            [pltpu.SemaphoreType.DMA] * nbuf,
        ],
        compiler_params=pltpu.CompilerParams(use_tc_tiling_on_sc=False),
    )
    def k(idx_hbm, table_hbm, out_hbm, idx_v, rows_v, gsem, wsem):
        wid = lax.axis_index("s") * _NC + lax.axis_index("c")
        r0 = wid * rpw
        pltpu.sync_copy(idx_hbm.at[pl.ds(r0, rpw)], idx_v)

        for c in range(2):
            pltpu.async_copy(table_hbm.at[idx_v.at[c]], rows_v.at[c], gsem[c])

        def body(i, carry):
            for b in range(nbuf):
                c = i * nbuf + b
                bg = (b + 2) % nbuf

                @pl.when(c >= 2)
                def _():
                    pltpu.make_async_copy(
                        rows_v.at[bg], out_hbm.at[r0 + c - 2], wsem[bg]
                    ).wait()

                @pl.when(c + 2 < rpw)
                def _():
                    pltpu.async_copy(
                        table_hbm.at[idx_v.at[c + 2]], rows_v.at[bg], gsem[bg])

                pltpu.make_async_copy(
                    table_hbm.at[idx_v.at[c]], rows_v.at[b], gsem[b]
                ).wait()
                pltpu.async_copy(rows_v.at[b], out_hbm.at[r0 + c], wsem[b])
            return carry

        lax.fori_loop(0, nouter, body, 0)

        for b in (2, 3):
            c = (nouter - 1) * nbuf + b
            pltpu.make_async_copy(
                rows_v.at[b], out_hbm.at[r0 + c], wsem[b]
            ).wait()

    return k(idx2d, table)


def kernel(cat_idx, table):
    s0, s1 = cat_idx.shape
    V, d = table.shape
    n = s0 * s1
    n_rows = n // _IW
    idx2d = cat_idx.reshape(n_rows, _IW).astype(jnp.int32)
    tlin = _sc_relayout(table.T, V, d)
    vt = (V // _IW) * _IW
    tail = table[vt:].reshape((V - vt) * d // _IW, _IW)
    tlin = lax.dynamic_update_slice(tlin, tail, (vt * d // _IW, 0))
    out = _sc_gather(idx2d, tlin.reshape(V, d), n_rows, d)
    return out.reshape(s0, s1, d)

# --- scband reference (transcript-rebuilt; emitter-appended) ---
"""Pipeline reference for scband-category-embeddings-17910013624975 (READ-ONLY COPY).

The authoritative reference and input builder live on the scoring server;
editing this copy changes nothing except your own understanding.
"""

import jax, jax.numpy as jnp
import numpy as np

NUM_CATS = 1000000
EMBED_DIM = 32


def setup_inputs(seed: int = 0) -> dict:
    key = jax.random.key(seed)
    k_idx, k_tab = jax.random.split(key)
    cat_idx = jax.random.randint(k_idx, (16384, 26), 0, NUM_CATS, dtype=jnp.int64 if jax.config.jax_enable_x64 else jnp.int32)
    table = jax.random.normal(k_tab, (NUM_CATS, EMBED_DIM), dtype=jnp.float32)
    return {"cat_idx": cat_idx, "table": table}


def reference(cat_idx, table):
    # nn.Embedding forward: gather rows of the table by index
    embed = jnp.take(table, cat_idx, axis=0)
    return embed

if __name__ == "__main__":
    import jax
    _d = setup_inputs()
    print(jax.jit(kernel)(*tuple(_d.values())))

</pallas_src>

<mosaic_0001>
#map = affine_map<(d0, d1) -> (0, 0)>
#map1 = affine_map<(d0, d1) -> (0, 0, 0)>
module attributes {stable_mosaic.version = 14 : i64} {
  func.func @k(%arg0: i32, %arg1: i32, %arg2: memref<3328x128xi32, #tpu.memory_space<hbm>>, %arg3: memref<1000000x32xf32, #tpu.memory_space<hbm>>, %arg4: memref<3328x128x32xf32, #tpu.memory_space<hbm>>, %arg5: memref<104x128xi32, #tpu.memory_space<vmem>>, %arg6: memref<4x128x32xf32, #tpu.memory_space<vmem>>, %arg7: memref<!tpu.dma_semaphore, #tpu.memory_space<semaphore_mem>>, %arg8: memref<!tpu.dma_semaphore, #tpu.memory_space<semaphore_mem>>, %arg9: memref<!tpu.dma_semaphore, #tpu.memory_space<semaphore_mem>>, %arg10: memref<!tpu.dma_semaphore, #tpu.memory_space<semaphore_mem>>, %arg11: memref<!tpu.dma_semaphore, #tpu.memory_space<semaphore_mem>>, %arg12: memref<!tpu.dma_semaphore, #tpu.memory_space<semaphore_mem>>, %arg13: memref<!tpu.dma_semaphore, #tpu.memory_space<semaphore_mem>>, %arg14: memref<!tpu.dma_semaphore, #tpu.memory_space<semaphore_mem>>) attributes {dimension_semantics = [#tpu.dimension_semantics<core_parallel>, #tpu.dimension_semantics<subcore_parallel>], iteration_bounds = array<i64: 2, 16>, scalar_prefetch = 0 : i64, scratch_operands = 10 : i64, tpu.core_type = #tpu.core_type<sc_vector_subcore>, window_params = [{transform_indices = #map}, {transform_indices = #map}, {transform_indices = #map1}]} {
    %mul3A = arith.constant 2 : i32
    %mul3A_0 = arith.muli %arg1, %mul3A : i32
    %add3A = arith.addi %mul3A_0, %arg0 : i32
    %mul3A_1 = arith.constant 104 : i32
    %mul3A_2 = arith.muli %add3A, %mul3A_1 : i32
    "tpu.region"() ({
      %run_scoped3A = tpu.sem_alloc : memref<!tpu.dma_semaphore, #tpu.memory_space<semaphore_mem>>
      %dma_start3A_68 = arith.constant 0 : i32
      %dma_start3A_69 = tpu.memref_slice %arg2[%mul3A_2, %dma_start3A_68] : memref<3328x128xi32, #tpu.memory_space<hbm>> -> memref<104x128xi32, #tpu.memory_space<hbm>>
      %dma_start3A_70 = arith.constant 0 : i32
      %dma_start3A_71 = tpu.memref_slice %arg2[%mul3A_2, %dma_start3A_70] : memref<3328x128xi32, #tpu.memory_space<hbm>> -> memref<104x128xi32, #tpu.memory_space<hbm>>
      tpu.enqueue_dma source(%dma_start3A_71 : memref<104x128xi32, #tpu.memory_space<hbm>>) target(%arg5 : memref<104x128xi32, #tpu.memory_space<vmem>>) target_semaphore(%run_scoped3A : memref<!tpu.dma_semaphore, #tpu.memory_space<semaphore_mem>>)
      %dma_wait3A_72 = arith.constant 0 : i32
      %dma_wait3A_73 = tpu.memref_slice %arg2[%mul3A_2, %dma_wait3A_72] : memref<3328x128xi32, #tpu.memory_space<hbm>> -> memref<104x128xi32, #tpu.memory_space<hbm>>
      %dma_wait3A_74 = arith.constant 0 : i32
      %dma_wait3A_75 = tpu.memref_slice %arg2[%mul3A_2, %dma_wait3A_74] : memref<3328x128xi32, #tpu.memory_space<hbm>> -> memref<104x128xi32, #tpu.memory_space<hbm>>
      tpu.wait_dma2 semaphore(%run_scoped3A : memref<!tpu.dma_semaphore, #tpu.memory_space<semaphore_mem>>) src(%dma_wait3A_75 : memref<104x128xi32, #tpu.memory_space<hbm>>) dst(%arg5 : memref<104x128xi32, #tpu.memory_space<vmem>>)
      tpu.yield
    }) : () -> ()
    %dma_start3A = arith.constant 0 : i32
    %dma_start3A_3 = arith.constant 0 : i32
    %dma_start3A_4 = arith.constant 0 : i32
    %dma_start3A_5 = arith.constant 0 : i32
    %dma_start3A_6 = tpu.memref_slice %arg6[%dma_start3A_3, %dma_start3A_4, %dma_start3A_5] : memref<4x128x32xf32, #tpu.memory_space<vmem>> -> memref<1x128x32xf32, #tpu.memory_space<vmem>>
    %dma_start3A_7 = tpu.memref_squeeze %dma_start3A_6 : memref<1x128x32xf32, #tpu.memory_space<vmem>> -> memref<128x32xf32, #tpu.memory_space<vmem>>
    %dma_start3A_8 = arith.constant 0 : i32
    %dma_start3A_9 = tpu.memref_slice %arg5[%dma_start3A, %dma_start3A_8] : memref<104x128xi32, #tpu.memory_space<vmem>> -> memref<1x128xi32, #tpu.memory_space<vmem>>
    %dma_start3A_10 = tpu.memref_squeeze %dma_start3A_9 : memref<1x128xi32, #tpu.memory_space<vmem>> -> memref<128xi32, #tpu.memory_space<vmem>>
    %dma_start3A_11 = arith.constant 0 : i32
    %dma_start3A_12 = arith.constant 0 : i32
    %dma_start3A_13 = tpu.memref_slice %arg3[%dma_start3A_11, %dma_start3A_12] : memref<1000000x32xf32, #tpu.memory_space<hbm>> -> memref<1000000x32xf32, #tpu.memory_space<hbm>>
    tpu.enqueue_indirect_dma source(%dma_start3A_13 : memref<1000000x32xf32, #tpu.memory_space<hbm>>) target(%dma_start3A_7 : memref<128x32xf32, #tpu.memory_space<vmem>>) offsets(%dma_start3A_10 : memref<128xi32, #tpu.memory_space<vmem>>) semaphore(%arg7 : memref<!tpu.dma_semaphore, #tpu.memory_space<semaphore_mem>>)
    %dma_start3A_14 = arith.constant 1 : i32
    %dma_start3A_15 = arith.constant 1 : i32
    %dma_start3A_16 = arith.constant 0 : i32
    %dma_start3A_17 = arith.constant 0 : i32
    %dma_start3A_18 = tpu.memref_slice %arg6[%dma_start3A_15, %dma_start3A_16, %dma_start3A_17] : memref<4x128x32xf32, #tpu.memory_space<vmem>> -> memref<1x128x32xf32, #tpu.memory_space<vmem>>
    %dma_start3A_19 = tpu.memref_squeeze %dma_start3A_18 : memref<1x128x32xf32, #tpu.memory_space<vmem>> -> memref<128x32xf32, #tpu.memory_space<vmem>>
    %dma_start3A_20 = arith.constant 0 : i32
    %dma_start3A_21 = tpu.memref_slice %arg5[%dma_start3A_14, %dma_start3A_20] : memref<104x128xi32, #tpu.memory_space<vmem>> -> memref<1x128xi32, #tpu.memory_space<vmem>>
    %dma_start3A_22 = tpu.memref_squeeze %dma_start3A_21 : memref<1x128xi32, #tpu.memory_space<vmem>> -> memref<128xi32, #tpu.memory_space<vmem>>
    %dma_start3A_23 = arith.constant 0 : i32
    %dma_start3A_24 = arith.constant 0 : i32
    %dma_start3A_25 = tpu.memref_slice %arg3[%dma_start3A_23, %dma_start3A_24] : memref<1000000x32xf32, #tpu.memory_space<hbm>> -> memref<1000000x32xf32, #tpu.memory_space<hbm>>
    tpu.enqueue_indirect_dma source(%dma_start3A_25 : memref<1000000x32xf32, #tpu.memory_space<hbm>>) target(%dma_start3A_19 : memref<128x32xf32, #tpu.memory_space<vmem>>) offsets(%dma_start3A_22 : memref<128xi32, #tpu.memory_space<vmem>>) semaphore(%arg8 : memref<!tpu.dma_semaphore, #tpu.memory_space<semaphore_mem>>)
    %scan3A = arith.constant 0 : i32
    %scan3A_26 = arith.constant 0 : i32
    %scan3A_27 = arith.constant 26 : i32
    %scan3A_28 = arith.addi %scan3A_26, %scan3A_27 : i32
    %scan3A_29 = arith.constant 1 : i32
    scf.for %scan3A_68 = %scan3A_26 to %scan3A_28 step %scan3A_29  : i32 {
      %mul3A_69 = arith.constant 4 : i32
      %mul3A_70 = arith.muli %scan3A_68, %mul3A_69 : i32
      %add3A_71 = arith.constant 0 : i32
      %add3A_72 = arith.addi %mul3A_70, %add3A_71 : i32
      %ge3A = arith.constant 2 : i32
      %ge3A_73 = arith.cmpi sge, %add3A_72, %ge3A : i32
      %convert_element_type3A = arith.extui %ge3A_73 : i1 to i32
      %cond3A = arith.constant 0 : i32
      %cond3A_74 = arith.cmpi ne, %convert_element_type3A, %cond3A : i32
      scf.if %cond3A_74 {
        %add3A_245 = arith.addi %mul3A_2, %add3A_72 : i32
        %sub3A = arith.constant 2 : i32
        %sub3A_246 = arith.subi %add3A_245, %sub3A : i32
        %dma_wait3A_247 = arith.constant 2 : i32
        %dma_wait3A_248 = arith.constant 0 : i32
        %dma_wait3A_249 = arith.constant 0 : i32
        %dma_wait3A_250 = tpu.memref_slice %arg6[%dma_wait3A_247, %dma_wait3A_248, %dma_wait3A_249] : memref<4x128x32xf32, #tpu.memory_space<vmem>> -> memref<1x128x32xf32, #tpu.memory_space<vmem>>
        %dma_wait3A_251 = tpu.memref_squeeze %dma_wait3A_250 : memref<1x128x32xf32, #tpu.memory_space<vmem>> -> memref<128x32xf32, #tpu.memory_space<vmem>>
        %dma_wait3A_252 = arith.constant 0 : i32
        %dma_wait3A_253 = arith.constant 0 : i32
        %dma_wait3A_254 = tpu.memref_slice %arg4[%sub3A_246, %dma_wait3A_252, %dma_wait3A_253] : memref<3328x128x32xf32, #tpu.memory_space<hbm>> -> memref<1x128x32xf32, #tpu.memory_space<hbm>>
        %dma_wait3A_255 = tpu.memref_squeeze %dma_wait3A_254 : memref<1x128x32xf32, #tpu.memory_space<hbm>> -> memref<128x32xf32, #tpu.memory_space<hbm>>
        %dma_wait3A_256 = arith.constant 0 : i32
        %dma_wait3A_257 = arith.constant 0 : i32
        %dma_wait3A_258 = tpu.memref_slice %arg4[%sub3A_246, %dma_wait3A_256, %dma_wait3A_257] : memref<3328x128x32xf32, #tpu.memory_space<hbm>> -> memref<1x128x32xf32, #tpu.memory_space<hbm>>
        %dma_wait3A_259 = tpu.memref_squeeze %dma_wait3A_258 : memref<1x128x32xf32, #tpu.memory_space<hbm>> -> memref<128x32xf32, #tpu.memory_space<hbm>>
        %dma_wait3A_260 = arith.constant 0 : i32
        %dma_wait3A_261 = arith.constant 0 : i32
        %dma_wait3A_262 = tpu.memref_slice %arg6[%dma_wait3A_247, %dma_wait3A_260, %dma_wait3A_261] : memref<4x128x32xf32, #tpu.memory_space<vmem>> -> memref<1x128x32xf32, #tpu.memory_space<vmem>>
        %dma_wait3A_263 = tpu.memref_squeeze %dma_wait3A_262 : memref<1x128x32xf32, #tpu.memory_space<vmem>> -> memref<128x32xf32, #tpu.memory_space<vmem>>
        tpu.wait_dma2 semaphore(%arg13 : memref<!tpu.dma_semaphore, #tpu.memory_space<semaphore_mem>>) src(%dma_wait3A_263 : memref<128x32xf32, #tpu.memory_space<vmem>>) dst(%dma_wait3A_259 : memref<128x32xf32, #tpu.memory_space<hbm>>)
      } else {
      }
      %add3A_75 = arith.constant 2 : i32
      %add3A_76 = arith.addi %add3A_72, %add3A_75 : i32
      %lt3A = arith.constant 104 : i32
      %lt3A_77 = arith.cmpi slt, %add3A_76, %lt3A : i32
      %convert_element_type3A_78 = arith.extui %lt3A_77 : i1 to i32
      %cond3A_79 = arith.constant 0 : i32
      %cond3A_80 = arith.cmpi ne, %convert_element_type3A_78, %cond3A_79 : i32
      scf.if %cond3A_80 {
        %add3A_245 = arith.constant 2 : i32
        %add3A_246 = arith.addi %add3A_72, %add3A_245 : i32
        %dma_start3A_247 = arith.constant 2 : i32
        %dma_start3A_248 = arith.constant 0 : i32
        %dma_start3A_249 = arith.constant 0 : i32
        %dma_start3A_250 = tpu.memref_slice %arg6[%dma_start3A_247, %dma_start3A_248, %dma_start3A_249] : memref<4x128x32xf32, #tpu.memory_space<vmem>> -> memref<1x128x32xf32, #tpu.memory_space<vmem>>
        %dma_start3A_251 = tpu.memref_squeeze %dma_start3A_250 : memref<1x128x32xf32, #tpu.memory_space<vmem>> -> memref<128x32xf32, #tpu.memory_space<vmem>>
        %dma_start3A_252 = arith.constant 0 : i32
        %dma_start3A_253 = tpu.memref_slice %arg5[%add3A_246, %dma_start3A_252] : memref<104x128xi32, #tpu.memory_space<vmem>> -> memref<1x128xi32, #tpu.memory_space<vmem>>
        %dma_start3A_254 = tpu.memref_squeeze %dma_start3A_253 : memref<1x128xi32, #tpu.memory_space<vmem>> -> memref<128xi32, #tpu.memory_space<vmem>>
        %dma_start3A_255 = arith.constant 0 : i32
        %dma_start3A_256 = arith.constant 0 : i32
        %dma_start3A_257 = tpu.memref_slice %arg3[%dma_start3A_255, %dma_start3A_256] : memref<1000000x32xf32, #tpu.memory_space<hbm>> -> memref<1000000x32xf32, #tpu.memory_space<hbm>>
        tpu.enqueue_indirect_dma source(%dma_start3A_257 : memref<1000000x32xf32, #tpu.memory_space<hbm>>) target(%dma_start3A_251 : memref<128x32xf32, #tpu.memory_space<vmem>>) offsets(%dma_start3A_254 : memref<128xi32, #tpu.memory_space<vmem>>) semaphore(%arg9 : memref<!tpu.dma_semaphore, #tpu.memory_space<semaphore_mem>>)
      } else {
      }
      %dma_wait3A_81 = arith.constant 0 : i32
      %dma_wait3A_82 = arith.constant 0 : i32
      %dma_wait3A_83 = arith.constant 0 : i32
      %dma_wait3A_84 = tpu.memref_slice %arg6[%dma_wait3A_81, %dma_wait3A_82, %dma_wait3A_83] : memref<4x128x32xf32, #tpu.memory_space<vmem>> -> memref<1x128x32xf32, #tpu.memory_space<vmem>>
      %dma_wait3A_85 = tpu.memref_squeeze %dma_wait3A_84 : memref<1x128x32xf32, #tpu.memory_space<vmem>> -> memref<128x32xf32, #tpu.memory_space<vmem>>
      %dma_wait3A_86 = arith.constant 0 : i32
      %dma_wait3A_87 = tpu.memref_slice %arg5[%add3A_72, %dma_wait3A_86] : memref<104x128xi32, #tpu.memory_space<vmem>> -> memref<1x128xi32, #tpu.memory_space<vmem>>
      %dma_wait3A_88 = tpu.memref_squeeze %dma_wait3A_87 : memref<1x128xi32, #tpu.memory_space<vmem>> -> memref<128xi32, #tpu.memory_space<vmem>>
      %dma_wait3A_89 = arith.constant 0 : i32
      %dma_wait3A_90 = arith.constant 0 : i32
      %dma_wait3A_91 = tpu.memref_slice %arg3[%dma_wait3A_89, %dma_wait3A_90] : memref<1000000x32xf32, #tpu.memory_space<hbm>> -> memref<1000000x32xf32, #tpu.memory_space<hbm>>
      tpu.wait_indirect_dma semaphore(%arg7 : memref<!tpu.dma_semaphore, #tpu.memory_space<semaphore_mem>>) src(%dma_wait3A_91 : memref<1000000x32xf32, #tpu.memory_space<hbm>>) dst(%dma_wait3A_85 : memref<128x32xf32, #tpu.memory_space<vmem>>)
      %add3A_92 = arith.addi %mul3A_2, %add3A_72 : i32
      %dma_start3A_93 = arith.constant 0 : i32
      %dma_start3A_94 = arith.constant 0 : i32
      %dma_start3A_95 = arith.constant 0 : i32
      %dma_start3A_96 = tpu.memref_slice %arg6[%dma_start3A_93, %dma_start3A_94, %dma_start3A_95] : memref<4x128x32xf32, #tpu.memory_space<vmem>> -> memref<1x128x32xf32, #tpu.memory_space<vmem>>
      %dma_start3A_97 = tpu.memref_squeeze %dma_start3A_96 : memref<1x128x32xf32, #tpu.memory_space<vmem>> -> memref<128x32xf32, #tpu.memory_space<vmem>>
      %dma_start3A_98 = arith.constant 0 : i32
      %dma_start3A_99 = arith.constant 0 : i32
      %dma_start3A_100 = tpu.memref_slice %arg4[%add3A_92, %dma_start3A_98, %dma_start3A_99] : memref<3328x128x32xf32, #tpu.memory_space<hbm>> -> memref<1x128x32xf32, #tpu.memory_space<hbm>>
      %dma_start3A_101 = tpu.memref_squeeze %dma_start3A_100 : memref<1x128x32xf32, #tpu.memory_space<hbm>> -> memref<128x32xf32, #tpu.memory_space<hbm>>
      %dma_start3A_102 = arith.constant 0 : i32
      %dma_start3A_103 = arith.constant 0 : i32
      %dma_start3A_104 = tpu.memref_slice %arg4[%add3A_92, %dma_start3A_102, %dma_start3A_103] : memref<3328x128x32xf32, #tpu.memory_space<hbm>> -> memref<1x128x32xf32, #tpu.memory_space<hbm>>
      %dma_start3A_105 = tpu.memref_squeeze %dma_start3A_104 : memref<1x128x32xf32, #tpu.memory_space<hbm>> -> memref<128x32xf32, #tpu.memory_space<hbm>>
      %dma_start3A_106 = arith.constant 0 : i32
      %dma_start3A_107 = arith.constant 0 : i32
      %dma_start3A_108 = tpu.memref_slice %arg6[%dma_start3A_93, %dma_start3A_106, %dma_start3A_107] : memref<4x128x32xf32, #tpu.memory_space<vmem>> -> memref<1x128x32xf32, #tpu.memory_space<vmem>>
      %dma_start3A_109 = tpu.memref_squeeze %dma_start3A_108 : memref<1x128x32xf32, #tpu.memory_space<vmem>> -> memref<128x32xf32, #tpu.memory_space<vmem>>
      tpu.enqueue_dma source(%dma_start3A_109 : memref<128x32xf32, #tpu.memory_space<vmem>>) target(%dma_start3A_105 : memref<128x32xf32, #tpu.memory_space<hbm>>) target_semaphore(%arg11 : memref<!tpu.dma_semaphore, #tpu.memory_space<semaphore_mem>>)
      %mul3A_110 = arith.constant 4 : i32
      %mul3A_111 = arith.muli %scan3A_68, %mul3A_110 : i32
      %add3A_112 = arith.constant 1 : i32
      %add3A_113 = arith.addi %mul3A_111, %add3A_112 : i32
      %ge3A_114 = arith.constant 2 : i32
      %ge3A_115 = arith.cmpi sge, %add3A_113, %ge3A_114 : i32
      %convert_element_type3A_116 = arith.extui %ge3A_115 : i1 to i32
      %cond3A_117 = arith.constant 0 : i32
      %cond3A_118 = arith.cmpi ne, %convert_element_type3A_116, %cond3A_117 : i32
      scf.if %cond3A_118 {
        %add3A_245 = arith.addi %mul3A_2, %add3A_113 : i32
        %sub3A = arith.constant 2 : i32
        %sub3A_246 = arith.subi %add3A_245, %sub3A : i32
        %dma_wait3A_247 = arith.constant 3 : i32
        %dma_wait3A_248 = arith.constant 0 : i32
        %dma_wait3A_249 = arith.constant 0 : i32
        %dma_wait3A_250 = tpu.memref_slice %arg6[%dma_wait3A_247, %dma_wait3A_248, %dma_wait3A_249] : memref<4x128x32xf32, #tpu.memory_space<vmem>> -> memref<1x128x32xf32, #tpu.memory_space<vmem>>
        %dma_wait3A_251 = tpu.memref_squeeze %dma_wait3A_250 : memref<1x128x32xf32, #tpu.memory_space<vmem>> -> memref<128x32xf32, #tpu.memory_space<vmem>>
        %dma_wait3A_252 = arith.constant 0 : i32
        %dma_wait3A_253 = arith.constant 0 : i32
        %dma_wait3A_254 = tpu.memref_slice %arg4[%sub3A_246, %dma_wait3A_252, %dma_wait3A_253] : memref<3328x128x32xf32, #tpu.memory_space<hbm>> -> memref<1x128x32xf32, #tpu.memory_space<hbm>>
        %dma_wait3A_255 = tpu.memref_squeeze %dma_wait3A_254 : memref<1x128x32xf32, #tpu.memory_space<hbm>> -> memref<128x32xf32, #tpu.memory_space<hbm>>
        %dma_wait3A_256 = arith.constant 0 : i32
        %dma_wait3A_257 = arith.constant 0 : i32
        %dma_wait3A_258 = tpu.memref_slice %arg4[%sub3A_246, %dma_wait3A_256, %dma_wait3A_257] : memref<3328x128x32xf32, #tpu.memory_space<hbm>> -> memref<1x128x32xf32, #tpu.memory_space<hbm>>
        %dma_wait3A_259 = tpu.memref_squeeze %dma_wait3A_258 : memref<1x128x32xf32, #tpu.memory_space<hbm>> -> memref<128x32xf32, #tpu.memory_space<hbm>>
        %dma_wait3A_260 = arith.constant 0 : i32
        %dma_wait3A_261 = arith.constant 0 : i32
        %dma_wait3A_262 = tpu.memref_slice %arg6[%dma_wait3A_247, %dma_wait3A_260, %dma_wait3A_261] : memref<4x128x32xf32, #tpu.memory_space<vmem>> -> memref<1x128x32xf32, #tpu.memory_space<vmem>>
        %dma_wait3A_263 = tpu.memref_squeeze %dma_wait3A_262 : memref<1x128x32xf32, #tpu.memory_space<vmem>> -> memref<128x32xf32, #tpu.memory_space<vmem>>
        tpu.wait_dma2 semaphore(%arg14 : memref<!tpu.dma_semaphore, #tpu.memory_space<semaphore_mem>>) src(%dma_wait3A_263 : memref<128x32xf32, #tpu.memory_space<vmem>>) dst(%dma_wait3A_259 : memref<128x32xf32, #tpu.memory_space<hbm>>)
      } else {
      }
      %add3A_119 = arith.constant 2 : i32
      %add3A_120 = arith.addi %add3A_113, %add3A_119 : i32
      %lt3A_121 = arith.constant 104 : i32
      %lt3A_122 = arith.cmpi slt, %add3A_120, %lt3A_121 : i32
      %convert_element_type3A_123 = arith.extui %lt3A_122 : i1 to i32
      %cond3A_124 = arith.constant 0 : i32
      %cond3A_125 = arith.cmpi ne, %convert_element_type3A_123, %cond3A_124 : i32
      scf.if %cond3A_125 {
        %add3A_245 = arith.constant 2 : i32
        %add3A_246 = arith.addi %add3A_113, %add3A_245 : i32
        %dma_start3A_247 = arith.constant 3 : i32
        %dma_start3A_248 = arith.constant 0 : i32
        %dma_start3A_249 = arith.constant 0 : i32
        %dma_start3A_250 = tpu.memref_slice %arg6[%dma_start3A_247, %dma_start3A_248, %dma_start3A_249] : memref<4x128x32xf32, #tpu.memory_space<vmem>> -> memref<1x128x32xf32, #tpu.memory_space<vmem>>
        %dma_start3A_251 = tpu.memref_squeeze %dma_start3A_250 : memref<1x128x32xf32, #tpu.memory_space<vmem>> -> memref<128x32xf32, #tpu.memory_space<vmem>>
        %dma_start3A_252 = arith.constant 0 : i32
        %dma_start3A_253 = tpu.memref_slice %arg5[%add3A_246, %dma_start3A_252] : memref<104x128xi32, #tpu.memory_space<vmem>> -> memref<1x128xi32, #tpu.memory_space<vmem>>
        %dma_start3A_254 = tpu.memref_squeeze %dma_start3A_253 : memref<1x128xi32, #tpu.memory_space<vmem>> -> memref<128xi32, #tpu.memory_space<vmem>>
        %dma_start3A_255 = arith.constant 0 : i32
        %dma_start3A_256 = arith.constant 0 : i32
        %dma_start3A_257 = tpu.memref_slice %arg3[%dma_start3A_255, %dma_start3A_256] : memref<1000000x32xf32, #tpu.memory_space<hbm>> -> memref<1000000x32xf32, #tpu.memory_space<hbm>>
        tpu.enqueue_indirect_dma source(%dma_start3A_257 : memref<1000000x32xf32, #tpu.memory_space<hbm>>) target(%dma_start3A_251 : memref<128x32xf32, #tpu.memory_space<vmem>>) offsets(%dma_start3A_254 : memref<128xi32, #tpu.memory_space<vmem>>) semaphore(%arg10 : memref<!tpu.dma_semaphore, #tpu.memory_space<semaphore_mem>>)
      } else {
      }
      %dma_wait3A_126 = arith.constant 1 : i32
      %dma_wait3A_127 = arith.constant 0 : i32
      %dma_wait3A_128 = arith.constant 0 : i32
      %dma_wait3A_129 = tpu.memref_slice %arg6[%dma_wait3A_126, %dma_wait3A_127, %dma_wait3A_128] : memref<4x128x32xf32, #tpu.memory_space<vmem>> -> memref<1x128x32xf32, #tpu.memory_space<vmem>>
      %dma_wait3A_130 = tpu.memref_squeeze %dma_wait3A_129 : memref<1x128x32xf32, #tpu.memory_space<vmem>> -> memref<128x32xf32, #tpu.memory_space<vmem>>
      %dma_wait3A_131 = arith.constant 0 : i32
      %dma_wait3A_132 = tpu.memref_slice %arg5[%add3A_113, %dma_wait3A_131] : memref<104x128xi32, #tpu.memory_space<vmem>> -> memref<1x128xi32, #tpu.memory_space<vmem>>
      %dma_wait3A_133 = tpu.memref_squeeze %dma_wait3A_132 : memref<1x128xi32, #tpu.memory_space<vmem>> -> memref<128xi32, #tpu.memory_space<vmem>>
      %dma_wait3A_134 = arith.constant 0 : i32
      %dma_wait3A_135 = arith.constant 0 : i32
      %dma_wait3A_136 = tpu.memref_slice %arg3[%dma_wait3A_134, %dma_wait3A_135] : memref<1000000x32xf32, #tpu.memory_space<hbm>> -> memref<1000000x32xf32, #tpu.memory_space<hbm>>
      tpu.wait_indirect_dma semaphore(%arg8 : memref<!tpu.dma_semaphore, #tpu.memory_space<semaphore_mem>>) src(%dma_wait3A_136 : memref<1000000x32xf32, #tpu.memory_space<hbm>>) dst(%dma_wait3A_130 : memref<128x32xf32, #tpu.memory_space<vmem>>)
      %add3A_137 = arith.addi %mul3A_2, %add3A_113 : i32
      %dma_start3A_138 = arith.constant 1 : i32
      %dma_start3A_139 = arith.constant 0 : i32
      %dma_start3A_140 = arith.constant 0 : i32
      %dma_start3A_141 = tpu.memref_slice %arg6[%dma_start3A_138, %dma_start3A_139, %dma_start3A_140] : memref<4x128x32xf32, #tpu.memory_space<vmem>> -> memref<1x128x32xf32, #tpu.memory_space<vmem>>
      %dma_start3A_142 = tpu.memref_squeeze %dma_start3A_141 : memref<1x128x32xf32, #tpu.memory_space<vmem>> -> memref<128x32xf32, #tpu.memory_space<vmem>>
      %dma_start3A_143 = arith.constant 0 : i32
      %dma_start3A_144 = arith.constant 0 : i32
      %dma_start3A_145 = tpu.memref_slice %arg4[%add3A_137, %dma_start3A_143, %dma_start3A_144] : memref<3328x128x32xf32, #tpu.memory_space<hbm>> -> memref<1x128x32xf32, #tpu.memory_space<hbm>>
      %dma_start3A_146 = tpu.memref_squeeze %dma_start3A_145 : memref<1x128x32xf32, #tpu.memory_space<hbm>> -> memref<128x32xf32, #tpu.memory_space<hbm>>
      %dma_start3A_147 = arith.constant 0 : i32
      %dma_start3A_148 = arith.constant 0 : i32
      %dma_start3A_149 = tpu.memref_slice %arg4[%add3A_137, %dma_start3A_147, %dma_start3A_148] : memref<3328x128x32xf32, #tpu.memory_space<hbm>> -> memref<1x128x32xf32, #tpu.memory_space<hbm>>
      %dma_start3A_150 = tpu.memref_squeeze %dma_start3A_149 : memref<1x128x32xf32, #tpu.memory_space<hbm>> -> memref<128x32xf32, #tpu.memory_space<hbm>>
      %dma_start3A_151 = arith.constant 0 : i32
      %dma_start3A_152 = arith.constant 0 : i32
      %dma_start3A_153 = tpu.memref_slice %arg6[%dma_start3A_138, %dma_start3A_151, %dma_start3A_152] : memref<4x128x32xf32, #tpu.memory_space<vmem>> -> memref<1x128x32xf32, #tpu.memory_space<vmem>>
      %dma_start3A_154 = tpu.memref_squeeze %dma_start3A_153 : memref<1x128x32xf32, #tpu.memory_space<vmem>> -> memref<128x32xf32, #tpu.memory_space<vmem>>
      tpu.enqueue_dma source(%dma_start3A_154 : memref<128x32xf32, #tpu.memory_space<vmem>>) target(%dma_start3A_150 : memref<128x32xf32, #tpu.memory_space<hbm>>) target_semaphore(%arg12 : memref<!tpu.dma_semaphore, #tpu.memory_space<semaphore_mem>>)
      %mul3A_155 = arith.constant 4 : i32
      %mul3A_156 = arith.muli %scan3A_68, %mul3A_155 : i32
      %add3A_157 = arith.constant 2 : i32
      %add3A_158 = arith.addi %mul3A_156, %add3A_157 : i32
      %ge3A_159 = arith.constant 2 : i32
      %ge3A_160 = arith.cmpi sge, %add3A_158, %ge3A_159 : i32
      %convert_element_type3A_161 = arith.extui %ge3A_160 : i1 to i32
      %cond3A_162 = arith.constant 0 : i32
      %cond3A_163 = arith.cmpi ne, %convert_element_type3A_161, %cond3A_162 : i32
      scf.if %cond3A_163 {
        %add3A_245 = arith.addi %mul3A_2, %add3A_158 : i32
        %sub3A = arith.constant 2 : i32
        %sub3A_246 = arith.subi %add3A_245, %sub3A : i32
        %dma_wait3A_247 = arith.constant 0 : i32
        %dma_wait3A_248 = arith.constant 0 : i32
        %dma_wait3A_249 = arith.constant 0 : i32
        %dma_wait3A_250 = tpu.memref_slice %arg6[%dma_wait3A_247, %dma_wait3A_248, %dma_wait3A_249] : memref<4x128x32xf32, #tpu.memory_space<vmem>> -> memref<1x128x32xf32, #tpu.memory_space<vmem>>
        %dma_wait3A_251 = tpu.memref_squeeze %dma_wait3A_250 : memref<1x128x32xf32, #tpu.memory_space<vmem>> -> memref<128x32xf32, #tpu.memory_space<vmem>>
        %dma_wait3A_252 = arith.constant 0 : i32
        %dma_wait3A_253 = arith.constant 0 : i32
        %dma_wait3A_254 = tpu.memref_slice %arg4[%sub3A_246, %dma_wait3A_252, %dma_wait3A_253] : memref<3328x128x32xf32, #tpu.memory_space<hbm>> -> memref<1x128x32xf32, #tpu.memory_space<hbm>>
        %dma_wait3A_255 = tpu.memref_squeeze %dma_wait3A_254 : memref<1x128x32xf32, #tpu.memory_space<hbm>> -> memref<128x32xf32, #tpu.memory_space<hbm>>
        %dma_wait3A_256 = arith.constant 0 : i32
        %dma_wait3A_257 = arith.constant 0 : i32
        %dma_wait3A_258 = tpu.memref_slice %arg4[%sub3A_246, %dma_wait3A_256, %dma_wait3A_257] : memref<3328x128x32xf32, #tpu.memory_space<hbm>> -> memref<1x128x32xf32, #tpu.memory_space<hbm>>
        %dma_wait3A_259 = tpu.memref_squeeze %dma_wait3A_258 : memref<1x128x32xf32, #tpu.memory_space<hbm>> -> memref<128x32xf32, #tpu.memory_space<hbm>>
        %dma_wait3A_260 = arith.constant 0 : i32
        %dma_wait3A_261 = arith.constant 0 : i32
        %dma_wait3A_262 = tpu.memref_slice %arg6[%dma_wait3A_247, %dma_wait3A_260, %dma_wait3A_261] : memref<4x128x32xf32, #tpu.memory_space<vmem>> -> memref<1x128x32xf32, #tpu.memory_space<vmem>>
        %dma_wait3A_263 = tpu.memref_squeeze %dma_wait3A_262 : memref<1x128x32xf32, #tpu.memory_space<vmem>> -> memref<128x32xf32, #tpu.memory_space<vmem>>
        tpu.wait_dma2 semaphore(%arg11 : memref<!tpu.dma_semaphore, #tpu.memory_space<semaphore_mem>>) src(%dma_wait3A_263 : memref<128x32xf32, #tpu.memory_space<vmem>>) dst(%dma_wait3A_259 : memref<128x32xf32, #tpu.memory_space<hbm>>)
      } else {
      }
      %add3A_164 = arith.constant 2 : i32
      %add3A_165 = arith.addi %add3A_158, %add3A_164 : i32
      %lt3A_166 = arith.constant 104 : i32
      %lt3A_167 = arith.cmpi slt, %add3A_165, %lt3A_166 : i32
      %convert_element_type3A_168 = arith.extui %lt3A_167 : i1 to i32
      %cond3A_169 = arith.constant 0 : i32
      %cond3A_170 = arith.cmpi ne, %convert_element_type3A_168, %cond3A_169 : i32
      scf.if %cond3A_170 {
        %add3A_245 = arith.constant 2 : i32
        %add3A_246 = arith.addi %add3A_158, %add3A_245 : i32
        %dma_start3A_247 = arith.constant 0 : i32
        %dma_start3A_248 = arith.constant 0 : i32
        %dma_start3A_249 = arith.constant 0 : i32
        %dma_start3A_250 = tpu.memref_slice %arg6[%dma_start3A_247, %dma_start3A_248, %dma_start3A_249] : memref<4x128x32xf32, #tpu.memory_space<vmem>> -> memref<1x128x32xf32, #tpu.memory_space<vmem>>
        %dma_start3A_251 = tpu.memref_squeeze %dma_start3A_250 : memref<1x128x32xf32, #tpu.memory_space<vmem>> -> memref<128x32xf32, #tpu.memory_space<vmem>>
        %dma_start3A_252 = arith.constant 0 : i32
        %dma_start3A_253 = tpu.memref_slice %arg5[%add3A_246, %dma_start3A_252] : memref<104x128xi32, #tpu.memory_space<vmem>> -> memref<1x128xi32, #tpu.memory_space<vmem>>
        %dma_start3A_254 = tpu.memref_squeeze %dma_start3A_253 : memref<1x128xi32, #tpu.memory_space<vmem>> -> memref<128xi32, #tpu.memory_space<vmem>>
        %dma_start3A_255 = arith.constant 0 : i32
        %dma_start3A_256 = arith.constant 0 : i32
        %dma_start3A_257 = tpu.memref_slice %arg3[%dma_start3A_255, %dma_start3A_256] : memref<1000000x32xf32, #tpu.memory_space<hbm>> -> memref<1000000x32xf32, #tpu.memory_space<hbm>>
        tpu.enqueue_indirect_dma source(%dma_start3A_257 : memref<1000000x32xf32, #tpu.memory_space<hbm>>) target(%dma_start3A_251 : memref<128x32xf32, #tpu.memory_space<vmem>>) offsets(%dma_start3A_254 : memref<128xi32, #tpu.memory_space<vmem>>) semaphore(%arg7 : memref<!tpu.dma_semaphore, #tpu.memory_space<semaphore_mem>>)
      } else {
      }
      %dma_wait3A_171 = arith.constant 2 : i32
      %dma_wait3A_172 = arith.constant 0 : i32
      %dma_wait3A_173 = arith.constant 0 : i32
      %dma_wait3A_174 = tpu.memref_slice %arg6[%dma_wait3A_171, %dma_wait3A_172, %dma_wait3A_173] : memref<4x128x32xf32, #tpu.memory_space<vmem>> -> memref<1x128x32xf32, #tpu.memory_space<vmem>>
      %dma_wait3A_175 = tpu.memref_squeeze %dma_wait3A_174 : memref<1x128x32xf32, #tpu.memory_space<vmem>> -> memref<128x32xf32, #tpu.memory_space<vmem>>
      %dma_wait3A_176 = arith.constant 0 : i32
      %dma_wait3A_177 = tpu.memref_slice %arg5[%add3A_158, %dma_wait3A_176] : memref<104x128xi32, #tpu.memory_space<vmem>> -> memref<1x128xi32, #tpu.memory_space<vmem>>
      %dma_wait3A_178 = tpu.memref_squeeze %dma_wait3A_177 : memref<1x128xi32, #tpu.memory_space<vmem>> -> memref<128xi32, #tpu.memory_space<vmem>>
      %dma_wait3A_179 = arith.constant 0 : i32
      %dma_wait3A_180 = arith.constant 0 : i32
      %dma_wait3A_181 = tpu.memref_slice %arg3[%dma_wait3A_179, %dma_wait3A_180] : memref<1000000x32xf32, #tpu.memory_space<hbm>> -> memref<1000000x32xf32, #tpu.memory_space<hbm>>
      tpu.wait_indirect_dma semaphore(%arg9 : memref<!tpu.dma_semaphore, #tpu.memory_space<semaphore_mem>>) src(%dma_wait3A_181 : memref<1000000x32xf32, #tpu.memory_space<hbm>>) dst(%dma_wait3A_175 : memref<128x32xf32, #tpu.memory_space<vmem>>)
      %add3A_182 = arith.addi %mul3A_2, %add3A_158 : i32
      %dma_start3A_183 = arith.constant 2 : i32
      %dma_start3A_184 = arith.constant 0 : i32
      %dma_start3A_185 = arith.constant 0 : i32
      %dma_start3A_186 = tpu.memref_slice %arg6[%dma_start3A_183, %dma_start3A_184, %dma_start3A_185] : memref<4x128x32xf32, #tpu.memory_space<vmem>> -> memref<1x128x32xf32, #tpu.memory_space<vmem>>
      %dma_start3A_187 = tpu.memref_squeeze %dma_start3A_186 : memref<1x128x32xf32, #tpu.memory_space<vmem>> -> memref<128x32xf32, #tpu.memory_space<vmem>>
      %dma_start3A_188 = arith.constant 0 : i32
      %dma_start3A_189 = arith.constant 0 : i32
      %dma_start3A_190 = tpu.memref_slice %arg4[%add3A_182, %dma_start3A_188, %dma_start3A_189] : memref<3328x128x32xf32, #tpu.memory_space<hbm>> -> memref<1x128x32xf32, #tpu.memory_space<hbm>>
      %dma_start3A_191 = tpu.memref_squeeze %dma_start3A_190 : memref<1x128x32xf32, #tpu.memory_space<hbm>> -> memref<128x32xf32, #tpu.memory_space<hbm>>
      %dma_start3A_192 = arith.constant 0 : i32
      %dma_start3A_193 = arith.constant 0 : i32
      %dma_start3A_194 = tpu.memref_slice %arg4[%add3A_182, %dma_start3A_192, %dma_start3A_193] : memref<3328x128x32xf32, #tpu.memory_space<hbm>> -> memref<1x128x32xf32, #tpu.memory_space<hbm>>
      %dma_start3A_195 = tpu.memref_squeeze %dma_start3A_194 : memref<1x128x32xf32, #tpu.memory_space<hbm>> -> memref<128x32xf32, #tpu.memory_space<hbm>>
      %dma_start3A_196 = arith.constant 0 : i32
      %dma_start3A_197 = arith.constant 0 : i32
      %dma_start3A_198 = tpu.memref_slice %arg6[%dma_start3A_183, %dma_start3A_196, %dma_start3A_197] : memref<4x128x32xf32, #tpu.memory_space<vmem>> -> memref<1x128x32xf32, #tpu.memory_space<vmem>>
      %dma_start3A_199 = tpu.memref_squeeze %dma_start3A_198 : memref<1x128x32xf32, #tpu.memory_space<vmem>> -> memref<128x32xf32, #tpu.memory_space<vmem>>
      tpu.enqueue_dma source(%dma_start3A_199 : memref<128x32xf32, #tpu.memory_space<vmem>>) target(%dma_start3A_195 : memref<128x32xf32, #tpu.memory_space<hbm>>) target_semaphore(%arg13 : memref<!tpu.dma_semaphore, #tpu.memory_space<semaphore_mem>>)
      %mul3A_200 = arith.constant 4 : i32
      %mul3A_201 = arith.muli %scan3A_68, %mul3A_200 : i32
      %add3A_202 = arith.constant 3 : i32
      %add3A_203 = arith.addi %mul3A_201, %add3A_202 : i32
      %ge3A_204 = arith.constant 2 : i32
      %ge3A_205 = arith.cmpi sge, %add3A_203, %ge3A_204 : i32
      %convert_element_type3A_206 = arith.extui %ge3A_205 : i1 to i32
      %cond3A_207 = arith.constant 0 : i32
      %cond3A_208 = arith.cmpi ne, %convert_element_type3A_206, %cond3A_207 : i32
      scf.if %cond3A_208 {
        %add3A_245 = arith.addi %mul3A_2, %add3A_203 : i32
        %sub3A = arith.constant 2 : i32
        %sub3A_246 = arith.subi %add3A_245, %sub3A : i32
        %dma_wait3A_247 = arith.constant 1 : i32
        %dma_wait3A_248 = arith.constant 0 : i32
        %dma_wait3A_249 = arith.constant 0 : i32
        %dma_wait3A_250 = tpu.memref_slice %arg6[%dma_wait3A_247, %dma_wait3A_248, %dma_wait3A_249] : memref<4x128x32xf32, #tpu.memory_space<vmem>> -> memref<1x128x32xf32, #tpu.memory_space<vmem>>
        %dma_wait3A_251 = tpu.memref_squeeze %dma_wait3A_250 : memref<1x128x32xf32, #tpu.memory_space<vmem>> -> memref<128x32xf32, #tpu.memory_space<vmem>>
        %dma_wait3A_252 = arith.constant 0 : i32
        %dma_wait3A_253 = arith.constant 0 : i32
        %dma_wait3A_254 = tpu.memref_slice %arg4[%sub3A_246, %dma_wait3A_252, %dma_wait3A_253] : memref<3328x128x32xf32, #tpu.memory_space<hbm>> -> memref<1x128x32xf32, #tpu.memory_space<hbm>>
        %dma_wait3A_255 = tpu.memref_squeeze %dma_wait3A_254 : memref<1x128x32xf32, #tpu.memory_space<hbm>> -> memref<128x32xf32, #tpu.memory_space<hbm>>
        %dma_wait3A_256 = arith.constant 0 : i32
        %dma_wait3A_257 = arith.constant 0 : i32
        %dma_wait3A_258 = tpu.memref_slice %arg4[%sub3A_246, %dma_wait3A_256, %dma_wait3A_257] : memref<3328x128x32xf32, #tpu.memory_space<hbm>> -> memref<1x128x32xf32, #tpu.memory_space<hbm>>
        %dma_wait3A_259 = tpu.memref_squeeze %dma_wait3A_258 : memref<1x128x32xf32, #tpu.memory_space<hbm>> -> memref<128x32xf32, #tpu.memory_space<hbm>>
        %dma_wait3A_260 = arith.constant 0 : i32
        %dma_wait3A_261 = arith.constant 0 : i32
        %dma_wait3A_262 = tpu.memref_slice %arg6[%dma_wait3A_247, %dma_wait3A_260, %dma_wait3A_261] : memref<4x128x32xf32, #tpu.memory_space<vmem>> -> memref<1x128x32xf32, #tpu.memory_space<vmem>>
        %dma_wait3A_263 = tpu.memref_squeeze %dma_wait3A_262 : memref<1x128x32xf32, #tpu.memory_space<vmem>> -> memref<128x32xf32, #tpu.memory_space<vmem>>
        tpu.wait_dma2 semaphore(%arg12 : memref<!tpu.dma_semaphore, #tpu.memory_space<semaphore_mem>>) src(%dma_wait3A_263 : memref<128x32xf32, #tpu.memory_space<vmem>>) dst(%dma_wait3A_259 : memref<128x32xf32, #tpu.memory_space<hbm>>)
      } else {
      }
      %add3A_209 = arith.constant 2 : i32
      %add3A_210 = arith.addi %add3A_203, %add3A_209 : i32
      %lt3A_211 = arith.constant 104 : i32
      %lt3A_212 = arith.cmpi slt, %add3A_210, %lt3A_211 : i32
      %convert_element_type3A_213 = arith.extui %lt3A_212 : i1 to i32
      %cond3A_214 = arith.constant 0 : i32
      %cond3A_215 = arith.cmpi ne, %convert_element_type3A_213, %cond3A_214 : i32
      scf.if %cond3A_215 {
        %add3A_245 = arith.constant 2 : i32
        %add3A_246 = arith.addi %add3A_203, %add3A_245 : i32
        %dma_start3A_247 = arith.constant 1 : i32
        %dma_start3A_248 = arith.constant 0 : i32
        %dma_start3A_249 = arith.constant 0 : i32
        %dma_start3A_250 = tpu.memref_slice %arg6[%dma_start3A_247, %dma_start3A_248, %dma_start3A_249] : memref<4x128x32xf32, #tpu.memory_space<vmem>> -> memref<1x128x32xf32, #tpu.memory_space<vmem>>
        %dma_start3A_251 = tpu.memref_squeeze %dma_start3A_250 : memref<1x128x32xf32, #tpu.memory_space<vmem>> -> memref<128x32xf32, #tpu.memory_space<vmem>>
        %dma_start3A_252 = arith.constant 0 : i32
        %dma_start3A_253 = tpu.memref_slice %arg5[%add3A_246, %dma_start3A_252] : memref<104x128xi32, #tpu.memory_space<vmem>> -> memref<1x128xi32, #tpu.memory_space<vmem>>
        %dma_start3A_254 = tpu.memref_squeeze %dma_start3A_253 : memref<1x128xi32, #tpu.memory_space<vmem>> -> memref<128xi32, #tpu.memory_space<vmem>>
        %dma_start3A_255 = arith.constant 0 : i32
        %dma_start3A_256 = arith.constant 0 : i32
        %dma_start3A_257 = tpu.memref_slice %arg3[%dma_start3A_255, %dma_start3A_256] : memref<1000000x32xf32, #tpu.memory_space<hbm>> -> memref<1000000x32xf32, #tpu.memory_space<hbm>>
        tpu.enqueue_indirect_dma source(%dma_start3A_257 : memref<1000000x32xf32, #tpu.memory_space<hbm>>) target(%dma_start3A_251 : memref<128x32xf32, #tpu.memory_space<vmem>>) offsets(%dma_start3A_254 : memref<128xi32, #tpu.memory_space<vmem>>) semaphore(%arg8 : memref<!tpu.dma_semaphore, #tpu.memory_space<semaphore_mem>>)
      } else {
      }
      %dma_wait3A_216 = arith.constant 3 : i32
      %dma_wait3A_217 = arith.constant 0 : i32
      %dma_wait3A_218 = arith.constant 0 : i32
      %dma_wait3A_219 = tpu.memref_slice %arg6[%dma_wait3A_216, %dma_wait3A_217, %dma_wait3A_218] : memref<4x128x32xf32, #tpu.memory_space<vmem>> -> memref<1x128x32xf32, #tpu.memory_space<vmem>>
      %dma_wait3A_220 = tpu.memref_squeeze %dma_wait3A_219 : memref<1x128x32xf32, #tpu.memory_space<vmem>> -> memref<128x32xf32, #tpu.memory_space<vmem>>
      %dma_wait3A_221 = arith.constant 0 : i32
      %dma_wait3A_222 = tpu.memref_slice %arg5[%add3A_203, %dma_wait3A_221] : memref<104x128xi32, #tpu.memory_space<vmem>> -> memref<1x128xi32, #tpu.memory_space<vmem>>
      %dma_wait3A_223 = tpu.memref_squeeze %dma_wait3A_222 : memref<1x128xi32, #tpu.memory_space<vmem>> -> memref<128xi32, #tpu.memory_space<vmem>>
      %dma_wait3A_224 = arith.constant 0 : i32
      %dma_wait3A_225 = arith.constant 0 : i32
      %dma_wait3A_226 = tpu.memref_slice %arg3[%dma_wait3A_224, %dma_wait3A_225] : memref<1000000x32xf32, #tpu.memory_space<hbm>> -> memref<1000000x32xf32, #tpu.memory_space<hbm>>
      tpu.wait_indirect_dma semaphore(%arg10 : memref<!tpu.dma_semaphore, #tpu.memory_space<semaphore_mem>>) src(%dma_wait3A_226 : memref<1000000x32xf32, #tpu.memory_space<hbm>>) dst(%dma_wait3A_220 : memref<128x32xf32, #tpu.memory_space<vmem>>)
      %add3A_227 = arith.addi %mul3A_2, %add3A_203 : i32
      %dma_start3A_228 = arith.constant 3 : i32
      %dma_start3A_229 = arith.constant 0 : i32
      %dma_start3A_230 = arith.constant 0 : i32
      %dma_start3A_231 = tpu.memref_slice %arg6[%dma_start3A_228, %dma_start3A_229, %dma_start3A_230] : memref<4x128x32xf32, #tpu.memory_space<vmem>> -> memref<1x128x32xf32, #tpu.memory_space<vmem>>
      %dma_start3A_232 = tpu.memref_squeeze %dma_start3A_231 : memref<1x128x32xf32, #tpu.memory_space<vmem>> -> memref<128x32xf32, #tpu.memory_space<vmem>>
      %dma_start3A_233 = arith.constant 0 : i32
      %dma_start3A_234 = arith.constant 0 : i32
      %dma_start3A_235 = tpu.memref_slice %arg4[%add3A_227, %dma_start3A_233, %dma_start3A_234] : memref<3328x128x32xf32, #tpu.memory_space<hbm>> -> memref<1x128x32xf32, #tpu.memory_space<hbm>>
      %dma_start3A_236 = tpu.memref_squeeze %dma_start3A_235 : memref<1x128x32xf32, #tpu.memory_space<hbm>> -> memref<128x32xf32, #tpu.memory_space<hbm>>
      %dma_start3A_237 = arith.constant 0 : i32
      %dma_start3A_238 = arith.constant 0 : i32
      %dma_start3A_239 = tpu.memref_slice %arg4[%add3A_227, %dma_start3A_237, %dma_start3A_238] : memref<3328x128x32xf32, #tpu.memory_space<hbm>> -> memref<1x128x32xf32, #tpu.memory_space<hbm>>
      %dma_start3A_240 = tpu.memref_squeeze %dma_start3A_239 : memref<1x128x32xf32, #tpu.memory_space<hbm>> -> memref<128x32xf32, #tpu.memory_space<hbm>>
      %dma_start3A_241 = arith.constant 0 : i32
      %dma_start3A_242 = arith.constant 0 : i32
      %dma_start3A_243 = tpu.memref_slice %arg6[%dma_start3A_228, %dma_start3A_241, %dma_start3A_242] : memref<4x128x32xf32, #tpu.memory_space<vmem>> -> memref<1x128x32xf32, #tpu.memory_space<vmem>>
      %dma_start3A_244 = tpu.memref_squeeze %dma_start3A_243 : memref<1x128x32xf32, #tpu.memory_space<vmem>> -> memref<128x32xf32, #tpu.memory_space<vmem>>
      tpu.enqueue_dma source(%dma_start3A_244 : memref<128x32xf32, #tpu.memory_space<vmem>>) target(%dma_start3A_240 : memref<128x32xf32, #tpu.memory_space<hbm>>) target_semaphore(%arg14 : memref<!tpu.dma_semaphore, #tpu.memory_space<semaphore_mem>>)
    }
    %scan3A_30 = arith.constant 26 : i32
    %add3A_31 = arith.constant 102 : i32
    %add3A_32 = arith.addi %mul3A_2, %add3A_31 : i32
    %dma_wait3A = arith.constant 2 : i32
    %dma_wait3A_33 = arith.constant 0 : i32
    %dma_wait3A_34 = arith.constant 0 : i32
    %dma_wait3A_35 = tpu.memref_slice %arg6[%dma_wait3A, %dma_wait3A_33, %dma_wait3A_34] : memref<4x128x32xf32, #tpu.memory_space<vmem>> -> memref<1x128x32xf32, #tpu.memory_space<vmem>>
    %dma_wait3A_36 = tpu.memref_squeeze %dma_wait3A_35 : memref<1x128x32xf32, #tpu.memory_space<vmem>> -> memref<128x32xf32, #tpu.memory_space<vmem>>
    %dma_wait3A_37 = arith.constant 0 : i32
    %dma_wait3A_38 = arith.constant 0 : i32
    %dma_wait3A_39 = tpu.memref_slice %arg4[%add3A_32, %dma_wait3A_37, %dma_wait3A_38] : memref<3328x128x32xf32, #tpu.memory_space<hbm>> -> memref<1x128x32xf32, #tpu.memory_space<hbm>>
    %dma_wait3A_40 = tpu.memref_squeeze %dma_wait3A_39 : memref<1x128x32xf32, #tpu.memory_space<hbm>> -> memref<128x32xf32, #tpu.memory_space<hbm>>
    %dma_wait3A_41 = arith.constant 0 : i32
    %dma_wait3A_42 = arith.constant 0 : i32
    %dma_wait3A_43 = tpu.memref_slice %arg4[%add3A_32, %dma_wait3A_41, %dma_wait3A_42] : memref<3328x128x32xf32, #tpu.memory_space<hbm>> -> memref<1x128x32xf32, #tpu.memory_space<hbm>>
    %dma_wait3A_44 = tpu.memref_squeeze %dma_wait3A_43 : memref<1x128x32xf32, #tpu.memory_space<hbm>> -> memref<128x32xf32, #tpu.memory_space<hbm>>
    %dma_wait3A_45 = arith.constant 0 : i32
    %dma_wait3A_46 = arith.constant 0 : i32
    %dma_wait3A_47 = tpu.memref_slice %arg6[%dma_wait3A, %dma_wait3A_45, %dma_wait3A_46] : memref<4x128x32xf32, #tpu.memory_space<vmem>> -> memref<1x128x32xf32, #tpu.memory_space<vmem>>
    %dma_wait3A_48 = tpu.memref_squeeze %dma_wait3A_47 : memref<1x128x32xf32, #tpu.memory_space<vmem>> -> memref<128x32xf32, #tpu.memory_space<vmem>>
    tpu.wait_dma2 semaphore(%arg13 : memref<!tpu.dma_semaphore, #tpu.memory_space<semaphore_mem>>) src(%dma_wait3A_48 : memref<128x32xf32, #tpu.memory_space<vmem>>) dst(%dma_wait3A_44 : memref<128x32xf32, #tpu.memory_space<hbm>>)
    %add3A_49 = arith.constant 103 : i32
    %add3A_50 = arith.addi %mul3A_2, %add3A_49 : i32
    %dma_wait3A_51 = arith.constant 3 : i32
    %dma_wait3A_52 = arith.constant 0 : i32
    %dma_wait3A_53 = arith.constant 0 : i32
    %dma_wait3A_54 = tpu.memref_slice %arg6[%dma_wait3A_51, %dma_wait3A_52, %dma_wait3A_53] : memref<4x128x32xf32, #tpu.memory_space<vmem>> -> memref<1x128x32xf32, #tpu.memory_space<vmem>>
    %dma_wait3A_55 = tpu.memref_squeeze %dma_wait3A_54 : memref<1x128x32xf32, #tpu.memory_space<vmem>> -> memref<128x32xf32, #tpu.memory_space<vmem>>
    %dma_wait3A_56 = arith.constant 0 : i32
    %dma_wait3A_57 = arith.constant 0 : i32
    %dma_wait3A_58 = tpu.memref_slice %arg4[%add3A_50, %dma_wait3A_56, %dma_wait3A_57] : memref<3328x128x32xf32, #tpu.memory_space<hbm>> -> memref<1x128x32xf32, #tpu.memory_space<hbm>>
    %dma_wait3A_59 = tpu.memref_squeeze %dma_wait3A_58 : memref<1x128x32xf32, #tpu.memory_space<hbm>> -> memref<128x32xf32, #tpu.memory_space<hbm>>
    %dma_wait3A_60 = arith.constant 0 : i32
    %dma_wait3A_61 = arith.constant 0 : i32
    %dma_wait3A_62 = tpu.memref_slice %arg4[%add3A_50, %dma_wait3A_60, %dma_wait3A_61] : memref<3328x128x32xf32, #tpu.memory_space<hbm>> -> memref<1x128x32xf32, #tpu.memory_space<hbm>>
    %dma_wait3A_63 = tpu.memref_squeeze %dma_wait3A_62 : memref<1x128x32xf32, #tpu.memory_space<hbm>> -> memref<128x32xf32, #tpu.memory_space<hbm>>
    %dma_wait3A_64 = arith.constant 0 : i32
    %dma_wait3A_65 = arith.constant 0 : i32
    %dma_wait3A_66 = tpu.memref_slice %arg6[%dma_wait3A_51, %dma_wait3A_64, %dma_wait3A_65] : memref<4x128x32xf32, #tpu.memory_space<vmem>> -> memref<1x128x32xf32, #tpu.memory_space<vmem>>
    %dma_wait3A_67 = tpu.memref_squeeze %dma_wait3A_66 : memref<1x128x32xf32, #tpu.memory_space<vmem>> -> memref<128x32xf32, #tpu.memory_space<vmem>>
    tpu.wait_dma2 semaphore(%arg14 : memref<!tpu.dma_semaphore, #tpu.memory_space<semaphore_mem>>) src(%dma_wait3A_67 : memref<128x32xf32, #tpu.memory_space<vmem>>) dst(%dma_wait3A_63 : memref<128x32xf32, #tpu.memory_space<hbm>>)
    return
  }
}

#map = affine_map<(d0, d1) -> (0, 0)>
module attributes {stable_mosaic.version = 14 : i64} {
  func.func @k(%arg0: i32, %arg1: i32, %arg2: memref<32x1000000xf32, #tpu.memory_space<hbm>>, %arg3: memref<250000x128xf32, #tpu.memory_space<hbm>>, %arg4: memref<2x1x32x128xf32, #tpu.memory_space<vmem>>, %arg5: memref<2x32x128xf32, #tpu.memory_space<vmem>>, %arg6: memref<!tpu.dma_semaphore, #tpu.memory_space<semaphore_mem>>, %arg7: memref<!tpu.dma_semaphore, #tpu.memory_space<semaphore_mem>>, %arg8: memref<!tpu.dma_semaphore, #tpu.memory_space<semaphore_mem>>, %arg9: memref<!tpu.dma_semaphore, #tpu.memory_space<semaphore_mem>>) attributes {dimension_semantics = [#tpu.dimension_semantics<core_parallel>, #tpu.dimension_semantics<subcore_parallel>], iteration_bounds = array<i64: 2, 16>, scalar_prefetch = 0 : i64, scratch_operands = 6 : i64, tpu.core_type = #tpu.core_type<sc_vector_subcore>, window_params = [{transform_indices = #map}, {transform_indices = #map}]} {
    %mul3A = arith.constant 2 : i32
    %mul3A_0 = arith.muli %arg1, %mul3A : i32
    %add3A = arith.addi %mul3A_0, %arg0 : i32
    %lt3A = arith.constant 4 : i32
    %lt3A_1 = arith.cmpi slt, %add3A, %lt3A : i32
    %jit3A = arith.constant 1 : i32
    %jit3A_2 = arith.constant 0 : i32
    %select_n3A = arith.select %lt3A_1, %jit3A, %jit3A_2 : i32
    %mul3A_3 = arith.constant 244 : i32
    %mul3A_4 = arith.muli %add3A, %mul3A_3 : i32
    %min3A = arith.constant 4 : i32
    %min3A_5 = arith.minsi %add3A, %min3A : i32
    %add3A_6 = arith.addi %mul3A_4, %min3A_5 : i32
    %add3A_7 = arith.constant 244 : i32
    %add3A_8 = arith.addi %add3A_7, %select_n3A : i32
    %iota3A = tpu.iota {dimensions = array<i32: 0>} : vector<16xi32>
    %mul3A_9 = arith.constant 0 : i32
    %mul3A_10 = vector.broadcast %mul3A_9 : i32 to vector<16xi32>
    %mul3A_11 = arith.muli %iota3A, %mul3A_10 : vector<16xi32>
    %mul3A_12 = arith.constant 128 : i32
    %mul3A_13 = vector.broadcast %mul3A_12 : i32 to vector<16xi32>
    %mul3A_14 = arith.muli %iota3A, %mul3A_13 : vector<16xi32>
    %add3A_15 = arith.constant 2048 : i32
    %add3A_16 = vector.broadcast %add3A_15 : i32 to vector<16xi32>
    %add3A_17 = arith.addi %mul3A_14, %add3A_16 : vector<16xi32>
    %gt3A = arith.constant 0 : i32
    %gt3A_18 = arith.cmpi sgt, %add3A_8, %gt3A : i32
    %convert_element_type3A = arith.extui %gt3A_18 : i1 to i32
    %cond3A = arith.constant 0 : i32
    %cond3A_19 = arith.cmpi ne, %convert_element_type3A, %cond3A : i32
    scf.if %cond3A_19 {
      %add3A_84 = arith.constant 0 : i32
      %add3A_85 = arith.addi %add3A_6, %add3A_84 : i32
      %mul3A_86 = arith.constant 1 : i32
      %mul3A_87 = arith.muli %add3A_85, %mul3A_86 : i32
      %add3A_88 = arith.constant 0 : i32
      %add3A_89 = arith.addi %mul3A_87, %add3A_88 : i32
      %mul3A_90 = arith.constant 128 : i32
      %mul3A_91 = arith.muli %add3A_89, %mul3A_90 : i32
      %dma_start3A = arith.constant 0 : i32
      %dma_start3A_92 = arith.constant 0 : i32
      %dma_start3A_93 = arith.constant 0 : i32
      %dma_start3A_94 = arith.constant 0 : i32
      %dma_start3A_95 = tpu.memref_slice %arg4[%dma_start3A, %dma_start3A_92, %dma_start3A_93, %dma_start3A_94] : memref<2x1x32x128xf32, #tpu.memory_space<vmem>> -> memref<1x1x32x128xf32, #tpu.memory_space<vmem>>
      %dma_start3A_96 = tpu.memref_squeeze %dma_start3A_95 : memref<1x1x32x128xf32, #tpu.memory_space<vmem>> -> memref<32x128xf32, #tpu.memory_space<vmem>>
      %dma_start3A_97 = arith.constant 0 : i32
      %dma_start3A_98 = tpu.memref_slice %arg2[%dma_start3A_97, %mul3A_91] : memref<32x1000000xf32, #tpu.memory_space<hbm>> -> memref<32x128xf32, #tpu.memory_space<hbm>>
      %dma_start3A_99 = arith.constant 0 : i32
      %dma_start3A_100 = arith.constant 0 : i32
      %dma_start3A_101 = tpu.memref_slice %arg4[%dma_start3A, %dma_start3A_92, %dma_start3A_99, %dma_start3A_100] : memref<2x1x32x128xf32, #tpu.memory_space<vmem>> -> memref<1x1x32x128xf32, #tpu.memory_space<vmem>>
      %dma_start3A_102 = tpu.memref_squeeze %dma_start3A_101 : memref<1x1x32x128xf32, #tpu.memory_space<vmem>> -> memref<32x128xf32, #tpu.memory_space<vmem>>
      %dma_start3A_103 = arith.constant 0 : i32
      %dma_start3A_104 = tpu.memref_slice %arg2[%dma_start3A_103, %mul3A_91] : memref<32x1000000xf32, #tpu.memory_space<hbm>> -> memref<32x128xf32, #tpu.memory_space<hbm>>
      tpu.enqueue_dma source(%dma_start3A_104 : memref<32x128xf32, #tpu.memory_space<hbm>>) target(%dma_start3A_102 : memref<32x128xf32, #tpu.memory_space<vmem>>) target_semaphore(%arg6 : memref<!tpu.dma_semaphore, #tpu.memory_space<semaphore_mem>>)
    } else {
    }
    %gt3A_20 = arith.constant 1 : i32
    %gt3A_21 = arith.cmpi sgt, %add3A_8, %gt3A_20 : i32
    %convert_element_type3A_22 = arith.extui %gt3A_21 : i1 to i32
    %cond3A_23 = arith.constant 0 : i32
    %cond3A_24 = arith.cmpi ne, %convert_element_type3A_22, %cond3A_23 : i32
    scf.if %cond3A_24 {
      %add3A_84 = arith.constant 1 : i32
      %add3A_85 = arith.addi %add3A_6, %add3A_84 : i32
      %mul3A_86 = arith.constant 1 : i32
      %mul3A_87 = arith.muli %add3A_85, %mul3A_86 : i32
      %add3A_88 = arith.constant 0 : i32
      %add3A_89 = arith.addi %mul3A_87, %add3A_88 : i32
      %mul3A_90 = arith.constant 128 : i32
      %mul3A_91 = arith.muli %add3A_89, %mul3A_90 : i32
      %dma_start3A = arith.constant 1 : i32
      %dma_start3A_92 = arith.constant 0 : i32
      %dma_start3A_93 = arith.constant 0 : i32
      %dma_start3A_94 = arith.constant 0 : i32
      %dma_start3A_95 = tpu.memref_slice %arg4[%dma_start3A, %dma_start3A_92, %dma_start3A_93, %dma_start3A_94] : memref<2x1x32x128xf32, #tpu.memory_space<vmem>> -> memref<1x1x32x128xf32, #tpu.memory_space<vmem>>
      %dma_start3A_96 = tpu.memref_squeeze %dma_start3A_95 : memref<1x1x32x128xf32, #tpu.memory_space<vmem>> -> memref<32x128xf32, #tpu.memory_space<vmem>>
      %dma_start3A_97 = arith.constant 0 : i32
      %dma_start3A_98 = tpu.memref_slice %arg2[%dma_start3A_97, %mul3A_91] : memref<32x1000000xf32, #tpu.memory_space<hbm>> -> memref<32x128xf32, #tpu.memory_space<hbm>>
      %dma_start3A_99 = arith.constant 0 : i32
      %dma_start3A_100 = arith.constant 0 : i32
      %dma_start3A_101 = tpu.memref_slice %arg4[%dma_start3A, %dma_start3A_92, %dma_start3A_99, %dma_start3A_100] : memref<2x1x32x128xf32, #tpu.memory_space<vmem>> -> memref<1x1x32x128xf32, #tpu.memory_space<vmem>>
      %dma_start3A_102 = tpu.memref_squeeze %dma_start3A_101 : memref<1x1x32x128xf32, #tpu.memory_space<vmem>> -> memref<32x128xf32, #tpu.memory_space<vmem>>
      %dma_start3A_103 = arith.constant 0 : i32
      %dma_start3A_104 = tpu.memref_slice %arg2[%dma_start3A_103, %mul3A_91] : memref<32x1000000xf32, #tpu.memory_space<hbm>> -> memref<32x128xf32, #tpu.memory_space<hbm>>
      tpu.enqueue_dma source(%dma_start3A_104 : memref<32x128xf32, #tpu.memory_space<hbm>>) target(%dma_start3A_102 : memref<32x128xf32, #tpu.memory_space<vmem>>) target_semaphore(%arg7 : memref<!tpu.dma_semaphore, #tpu.memory_space<semaphore_mem>>)
    } else {
    }
    %scan3A = arith.constant 0 : i32
    %scan3A_25 = arith.constant 0 : i32
    %scan3A_26 = arith.constant 123 : i32
    %scan3A_27 = arith.addi %scan3A_25, %scan3A_26 : i32
    %scan3A_28 = arith.constant 1 : i32
    scf.for %scan3A_84 = %scan3A_25 to %scan3A_27 step %scan3A_28  : i32 {
      %mul3A_85 = arith.constant 2 : i32
      %mul3A_86 = arith.muli %scan3A_84, %mul3A_85 : i32
      %add3A_87 = arith.constant 0 : i32
      %add3A_88 = arith.addi %mul3A_86, %add3A_87 : i32
      %lt3A_89 = arith.cmpi slt, %add3A_88, %add3A_8 : i32
      %convert_element_type3A_90 = arith.extui %lt3A_89 : i1 to i32
      %cond3A_91 = arith.constant 0 : i32
      %cond3A_92 = arith.cmpi ne, %convert_element_type3A_90, %cond3A_91 : i32
      scf.if %cond3A_92 {
        %add3A_101 = arith.addi %add3A_6, %add3A_88 : i32
        %mul3A_102 = arith.constant 1 : i32
        %mul3A_103 = arith.muli %add3A_101, %mul3A_102 : i32
        %add3A_104 = arith.constant 0 : i32
        %add3A_105 = arith.addi %mul3A_103, %add3A_104 : i32
        %mul3A_106 = arith.constant 128 : i32
        %mul3A_107 = arith.muli %add3A_105, %mul3A_106 : i32
        %dma_wait3A = arith.constant 0 : i32
        %dma_wait3A_108 = arith.constant 0 : i32
        %dma_wait3A_109 = arith.constant 0 : i32
        %dma_wait3A_110 = arith.constant 0 : i32
        %dma_wait3A_111 = tpu.memref_slice %arg4[%dma_wait3A, %dma_wait3A_108, %dma_wait3A_109, %dma_wait3A_110] : memref<2x1x32x128xf32, #tpu.memory_space<vmem>> -> memref<1x1x32x128xf32, #tpu.memory_space<vmem>>
        %dma_wait3A_112 = tpu.memref_squeeze %dma_wait3A_111 : memref<1x1x32x128xf32, #tpu.memory_space<vmem>> -> memref<32x128xf32, #tpu.memory_space<vmem>>
        %dma_wait3A_113 = arith.constant 0 : i32
        %dma_wait3A_114 = tpu.memref_slice %arg2[%dma_wait3A_113, %mul3A_107] : memref<32x1000000xf32, #tpu.memory_space<hbm>> -> memref<32x128xf32, #tpu.memory_space<hbm>>
        %dma_wait3A_115 = arith.constant 0 : i32
        %dma_wait3A_116 = arith.constant 0 : i32
        %dma_wait3A_117 = tpu.memref_slice %arg4[%dma_wait3A, %dma_wait3A_108, %dma_wait3A_115, %dma_wait3A_116] : memref<2x1x32x128xf32, #tpu.memory_space<vmem>> -> memref<1x1x32x128xf32, #tpu.memory_space<vmem>>
        %dma_wait3A_118 = tpu.memref_squeeze %dma_wait3A_117 : memref<1x1x32x128xf32, #tpu.memory_space<vmem>> -> memref<32x128xf32, #tpu.memory_space<vmem>>
        %dma_wait3A_119 = arith.constant 0 : i32
        %dma_wait3A_120 = tpu.memref_slice %arg2[%dma_wait3A_119, %mul3A_107] : memref<32x1000000xf32, #tpu.memory_space<hbm>> -> memref<32x128xf32, #tpu.memory_space<hbm>>
        tpu.wait_dma2 semaphore(%arg6 : memref<!tpu.dma_semaphore, #tpu.memory_space<semaphore_mem>>) src(%dma_wait3A_120 : memref<32x128xf32, #tpu.memory_space<hbm>>) dst(%dma_wait3A_118 : memref<32x128xf32, #tpu.memory_space<vmem>>)
        %ge3A_121 = arith.constant 2 : i32
        %ge3A_122 = arith.cmpi sge, %add3A_88, %ge3A_121 : i32
        %convert_element_type3A_123 = arith.extui %ge3A_122 : i1 to i32
        %cond3A_124 = arith.constant 0 : i32
        %cond3A_125 = arith.cmpi ne, %convert_element_type3A_123, %cond3A_124 : i32
        scf.if %cond3A_125 {
          %sub3A_151 = arith.constant 2 : i32
          %sub3A_152 = arith.subi %add3A_88, %sub3A_151 : i32
          %add3A_153 = arith.addi %add3A_6, %sub3A_152 : i32
          %mul3A_154 = arith.constant 32 : i32
          %mul3A_155 = arith.muli %add3A_153, %mul3A_154 : i32
          %dma_wait3A_156 = arith.constant 0 : i32
          %dma_wait3A_157 = arith.constant 0 : i32
          %dma_wait3A_158 = arith.constant 0 : i32
          %dma_wait3A_159 = tpu.memref_slice %arg5[%dma_wait3A_156, %dma_wait3A_157, %dma_wait3A_158] : memref<2x32x128xf32, #tpu.memory_space<vmem>> -> memref<1x32x128xf32, #tpu.memory_space<vmem>>
          %dma_wait3A_160 = tpu.memref_squeeze %dma_wait3A_159 : memref<1x32x128xf32, #tpu.memory_space<vmem>> -> memref<32x128xf32, #tpu.memory_space<vmem>>
          %dma_wait3A_161 = arith.constant 0 : i32
          %dma_wait3A_162 = tpu.memref_slice %arg3[%mul3A_155, %dma_wait3A_161] : memref<250000x128xf32, #tpu.memory_space<hbm>> -> memref<32x128xf32, #tpu.memory_space<hbm>>
          %dma_wait3A_163 = arith.constant 0 : i32
          %dma_wait3A_164 = tpu.memref_slice %arg3[%mul3A_155, %dma_wait3A_163] : memref<250000x128xf32, #tpu.memory_space<hbm>> -> memref<32x128xf32, #tpu.memory_space<hbm>>
          %dma_wait3A_165 = arith.constant 0 : i32
          %dma_wait3A_166 = arith.constant 0 : i32
          %dma_wait3A_167 = tpu.memref_slice %arg5[%dma_wait3A_156, %dma_wait3A_165, %dma_wait3A_166] : memref<2x32x128xf32, #tpu.memory_space<vmem>> -> memref<1x32x128xf32, #tpu.memory_space<vmem>>
          %dma_wait3A_168 = tpu.memref_squeeze %dma_wait3A_167 : memref<1x32x128xf32, #tpu.memory_space<vmem>> -> memref<32x128xf32, #tpu.memory_space<vmem>>
          tpu.wait_dma2 semaphore(%arg8 : memref<!tpu.dma_semaphore, #tpu.memory_space<semaphore_mem>>) src(%dma_wait3A_168 : memref<32x128xf32, #tpu.memory_space<vmem>>) dst(%dma_wait3A_164 : memref<32x128xf32, #tpu.memory_space<hbm>>)
        } else {
        }
        %parallel_loop3A = arith.constant 0 : i32
        %parallel_loop3A_126 = arith.constant 128 : i32
        %parallel_loop3A_127 = arith.constant 1 : i32
        %parallel_loop3A_128 = arith.constant 0 : i32
        %parallel_loop3A_129 = arith.constant 0 : i32
        scf.for %parallel_loop3A_151 = %parallel_loop3A to %parallel_loop3A_126 step %parallel_loop3A_127  : i32 {
          %parallel_loop3A_152 = arith.constant 128 : i32
          %parallel_loop3A_153 = arith.divsi %parallel_loop3A_151, %parallel_loop3A_152 : i32
          %parallel_loop3A_154 = arith.constant 0 : i32
          %parallel_loop3A_155 = arith.cmpi sgt, %parallel_loop3A_151, %parallel_loop3A_154 : i32
          %parallel_loop3A_156 = arith.extui %parallel_loop3A_155 : i1 to i32
          %parallel_loop3A_157 = arith.constant 0 : i32
          %parallel_loop3A_158 = arith.cmpi slt, %parallel_loop3A_151, %parallel_loop3A_157 : i32
          %parallel_loop3A_159 = arith.extui %parallel_loop3A_158 : i1 to i32
          %parallel_loop3A_160 = arith.subi %parallel_loop3A_156, %parallel_loop3A_159 : i32
          %parallel_loop3A_161 = arith.constant 0 : i32
          %parallel_loop3A_162 = arith.cmpi sgt, %parallel_loop3A_152, %parallel_loop3A_161 : i32
          %parallel_loop3A_163 = arith.extui %parallel_loop3A_162 : i1 to i32
          %parallel_loop3A_164 = arith.constant 0 : i32
          %parallel_loop3A_165 = arith.cmpi slt, %parallel_loop3A_152, %parallel_loop3A_164 : i32
          %parallel_loop3A_166 = arith.extui %parallel_loop3A_165 : i1 to i32
          %parallel_loop3A_167 = arith.subi %parallel_loop3A_163, %parallel_loop3A_166 : i32
          %parallel_loop3A_168 = arith.cmpi ne, %parallel_loop3A_160, %parallel_loop3A_167 : i32
          %parallel_loop3A_169 = arith.remsi %parallel_loop3A_151, %parallel_loop3A_152 : i32
          %parallel_loop3A_170 = arith.constant 0 : i32
          %parallel_loop3A_171 = arith.cmpi ne, %parallel_loop3A_169, %parallel_loop3A_170 : i32
          %parallel_loop3A_172 = arith.andi %parallel_loop3A_168, %parallel_loop3A_171 : i1
          %parallel_loop3A_173 = arith.constant 1 : i32
          %parallel_loop3A_174 = arith.subi %parallel_loop3A_153, %parallel_loop3A_173 : i32
          %parallel_loop3A_175 = arith.select %parallel_loop3A_172, %parallel_loop3A_174, %parallel_loop3A_153 : i32
          %parallel_loop3A_176 = arith.constant 3968 : i32
          %parallel_loop3A_177 = arith.muli %parallel_loop3A_175, %parallel_loop3A_176 : i32
          %parallel_loop3A_178 = arith.addi %parallel_loop3A_151, %parallel_loop3A_177 : i32
          %parallel_loop3A_179 = arith.constant 4 : i32
          %parallel_loop3A_180 = arith.divsi %parallel_loop3A_151, %parallel_loop3A_179 : i32
          %parallel_loop3A_181 = arith.constant 0 : i32
          %parallel_loop3A_182 = arith.cmpi sgt, %parallel_loop3A_151, %parallel_loop3A_181 : i32
          %parallel_loop3A_183 = arith.extui %parallel_loop3A_182 : i1 to i32
          %parallel_loop3A_184 = arith.constant 0 : i32
          %parallel_loop3A_185 = arith.cmpi slt, %parallel_loop3A_151, %parallel_loop3A_184 : i32
          %parallel_loop3A_186 = arith.extui %parallel_loop3A_185 : i1 to i32
          %parallel_loop3A_187 = arith.subi %parallel_loop3A_183, %parallel_loop3A_186 : i32
          %parallel_loop3A_188 = arith.constant 0 : i32
          %parallel_loop3A_189 = arith.cmpi sgt, %parallel_loop3A_179, %parallel_loop3A_188 : i32
          %parallel_loop3A_190 = arith.extui %parallel_loop3A_189 : i1 to i32
          %parallel_loop3A_191 = arith.constant 0 : i32
          %parallel_loop3A_192 = arith.cmpi slt, %parallel_loop3A_179, %parallel_loop3A_191 : i32
          %parallel_loop3A_193 = arith.extui %parallel_loop3A_192 : i1 to i32
          %parallel_loop3A_194 = arith.subi %parallel_loop3A_190, %parallel_loop3A_193 : i32
          %parallel_loop3A_195 = arith.cmpi ne, %parallel_loop3A_187, %parallel_loop3A_194 : i32
          %parallel_loop3A_196 = arith.remsi %parallel_loop3A_151, %parallel_loop3A_179 : i32
          %parallel_loop3A_197 = arith.constant 0 : i32
          %parallel_loop3A_198 = arith.cmpi ne, %parallel_loop3A_196, %parallel_loop3A_197 : i32
          %parallel_loop3A_199 = arith.andi %parallel_loop3A_195, %parallel_loop3A_198 : i1
          %parallel_loop3A_200 = arith.constant 1 : i32
          %parallel_loop3A_201 = arith.subi %parallel_loop3A_180, %parallel_loop3A_200 : i32
          %parallel_loop3A_202 = arith.select %parallel_loop3A_199, %parallel_loop3A_201, %parallel_loop3A_180 : i32
          %parallel_loop3A_203 = arith.constant 4 : i32
          %parallel_loop3A_204 = arith.constant 0 : i32
          %parallel_loop3A_205 = arith.cmpi eq, %parallel_loop3A_203, %parallel_loop3A_204 : i32
          %parallel_loop3A_206 = arith.constant 1 : i32
          %parallel_loop3A_207 = arith.select %parallel_loop3A_205, %parallel_loop3A_206, %parallel_loop3A_203 : i32
          %parallel_loop3A_208 = arith.remsi %parallel_loop3A_151, %parallel_loop3A_207 : i32
          %parallel_loop3A_209 = arith.constant 0 : i32
          %parallel_loop3A_210 = arith.cmpi ne, %parallel_loop3A_208, %parallel_loop3A_209 : i32
          %parallel_loop3A_211 = arith.constant 0 : i32
          %parallel_loop3A_212 = arith.cmpi slt, %parallel_loop3A_208, %parallel_loop3A_211 : i32
          %parallel_loop3A_213 = arith.constant 0 : i32
          %parallel_loop3A_214 = arith.cmpi slt, %parallel_loop3A_207, %parallel_loop3A_213 : i32
          %parallel_loop3A_215 = arith.xori %parallel_loop3A_212, %parallel_loop3A_214 : i1
          %parallel_loop3A_216 = arith.andi %parallel_loop3A_215, %parallel_loop3A_210 : i1
          %parallel_loop3A_217 = arith.addi %parallel_loop3A_208, %parallel_loop3A_207 : i32
          %parallel_loop3A_218 = arith.select %parallel_loop3A_216, %parallel_loop3A_217, %parallel_loop3A_208 : i32
          %parallel_loop3A_219 = arith.constant 32 : i32
          %parallel_loop3A_220 = arith.muli %parallel_loop3A_218, %parallel_loop3A_219 : i32
          %parallel_loop3A_221 = vector.broadcast %parallel_loop3A_178 : i32 to vector<16xi32>
          %parallel_loop3A_222 = arith.addi %mul3A_14, %parallel_loop3A_221 : vector<16xi32>
          %parallel_loop3A_223 = arith.constant 0 : i32
          %parallel_loop3A_224 = arith.constant 0 : i32
          %parallel_loop3A_225 = arith.constant 0 : i32
          %parallel_loop3A_226 = tpu.memref_slice %arg4[%parallel_loop3A_128, %parallel_loop3A_223, %parallel_loop3A_224, %parallel_loop3A_225] : memref<2x1x32x128xf32, #tpu.memory_space<vmem>> -> memref<1x1x32x128xf32, #tpu.memory_space<vmem>>
          %parallel_loop3A_227 = tpu.memref_squeeze %parallel_loop3A_226 : memref<1x1x32x128xf32, #tpu.memory_space<vmem>> -> memref<1x32x128xf32, #tpu.memory_space<vmem>>
          %parallel_loop3A_228 = tpu.vector_load_idx %parallel_loop3A_227[%mul3A_11, %mul3A_11, %parallel_loop3A_222] : memref<1x32x128xf32, #tpu.memory_space<vmem>>[vector<16xi32>, vector<16xi32>, vector<16xi32>], vector<16xf32>,
          %parallel_loop3A_229 = arith.constant 0 : i32
          %parallel_loop3A_230 = arith.constant 0 : i32
          %parallel_loop3A_231 = tpu.memref_slice %arg5[%parallel_loop3A_129, %parallel_loop3A_229, %parallel_loop3A_230] : memref<2x32x128xf32, #tpu.memory_space<vmem>> -> memref<1x32x128xf32, #tpu.memory_space<vmem>>
          %parallel_loop3A_232 = tpu.memref_squeeze %parallel_loop3A_231 : memref<1x32x128xf32, #tpu.memory_space<vmem>> -> memref<32x128xf32, #tpu.memory_space<vmem>>
          %parallel_loop3A_233 = arith.index_cast %parallel_loop3A_202 : i32 to index
          %parallel_loop3A_234 = arith.index_cast %parallel_loop3A_220 : i32 to index
          %parallel_loop3A_235 = tpu.vector_load %parallel_loop3A_232[%parallel_loop3A_233, %parallel_loop3A_234] {strides = array<i32>} : memref<32x128xf32, #tpu.memory_space<vmem>>, vector<16xf32>,
          tpu.vector_store %parallel_loop3A_232[%parallel_loop3A_233, %parallel_loop3A_234], %parallel_loop3A_228 {strides = array<i32>} : memref<32x128xf32, #tpu.memory_space<vmem>>, vector<16xf32>,
          %parallel_loop3A_236 = vector.broadcast %parallel_loop3A_178 : i32 to vector<16xi32>
          %parallel_loop3A_237 = arith.addi %add3A_17, %parallel_loop3A_236 : vector<16xi32>
          %parallel_loop3A_238 = arith.constant 0 : i32
          %parallel_loop3A_239 = arith.constant 0 : i32
          %parallel_loop3A_240 = arith.constant 0 : i32
          %parallel_loop3A_241 = tpu.memref_slice %arg4[%parallel_loop3A_128, %parallel_loop3A_238, %parallel_loop3A_239, %parallel_loop3A_240] : memref<2x1x32x128xf32, #tpu.memory_space<vmem>> -> memref<1x1x32x128xf32, #tpu.memory_space<vmem>>
          %parallel_loop3A_242 = tpu.memref_squeeze %parallel_loop3A_241 : memref<1x1x32x128xf32, #tpu.memory_space<vmem>> -> memref<1x32x128xf32, #tpu.memory_space<vmem>>
          %parallel_loop3A_243 = tpu.vector_load_idx %parallel_loop3A_242[%mul3A_11, %mul3A_11, %parallel_loop3A_237] : memref<1x32x128xf32, #tpu.memory_space<vmem>>[vector<16xi32>, vector<16xi32>, vector<16xi32>], vector<16xf32>,
          %parallel_loop3A_244 = arith.constant 16 : i32
          %parallel_loop3A_245 = arith.addi %parallel_loop3A_220, %parallel_loop3A_244 : i32
          %parallel_loop3A_246 = arith.constant 0 : i32
          %parallel_loop3A_247 = arith.constant 0 : i32
          %parallel_loop3A_248 = tpu.memref_slice %arg5[%parallel_loop3A_129, %parallel_loop3A_246, %parallel_loop3A_247] : memref<2x32x128xf32, #tpu.memory_space<vmem>> -> memref<1x32x128xf32, #tpu.memory_space<vmem>>
          %parallel_loop3A_249 = tpu.memref_squeeze %parallel_loop3A_248 : memref<1x32x128xf32, #tpu.memory_space<vmem>> -> memref<32x128xf32, #tpu.memory_space<vmem>>
          %parallel_loop3A_250 = arith.index_cast %parallel_loop3A_202 : i32 to index
          %parallel_loop3A_251 = arith.index_cast %parallel_loop3A_245 : i32 to index
          %parallel_loop3A_252 = tpu.vector_load %parallel_loop3A_249[%parallel_loop3A_250, %parallel_loop3A_251] {strides = array<i32>} : memref<32x128xf32, #tpu.memory_space<vmem>>, vector<16xf32>,
          tpu.vector_store %parallel_loop3A_249[%parallel_loop3A_250, %parallel_loop3A_251], %parallel_loop3A_243 {strides = array<i32>} : memref<32x128xf32, #tpu.memory_space<vmem>>, vector<16xf32>,
        } {sc.loop_unroll_factor = 8 : i64, sc.parallel_access}
        %add3A_130 = arith.addi %add3A_6, %add3A_88 : i32
        %mul3A_131 = arith.constant 32 : i32
        %mul3A_132 = arith.muli %add3A_130, %mul3A_131 : i32
        %dma_start3A = arith.constant 0 : i32
        %dma_start3A_133 = arith.constant 0 : i32
        %dma_start3A_134 = arith.constant 0 : i32
        %dma_start3A_135 = tpu.memref_slice %arg5[%dma_start3A, %dma_start3A_133, %dma_start3A_134] : memref<2x32x128xf32, #tpu.memory_space<vmem>> -> memref<1x32x128xf32, #tpu.memory_space<vmem>>
        %dma_start3A_136 = tpu.memref_squeeze %dma_start3A_135 : memref<1x32x128xf32, #tpu.memory_space<vmem>> -> memref<32x128xf32, #tpu.memory_space<vmem>>
        %dma_start3A_137 = arith.constant 0 : i32
        %dma_start3A_138 = tpu.memref_slice %arg3[%mul3A_132, %dma_start3A_137] : memref<250000x128xf32, #tpu.memory_space<hbm>> -> memref<32x128xf32, #tpu.memory_space<hbm>>
        %dma_start3A_139 = arith.constant 0 : i32
        %dma_start3A_140 = tpu.memref_slice %arg3[%mul3A_132, %dma_start3A_139] : memref<250000x128xf32, #tpu.memory_space<hbm>> -> memref<32x128xf32, #tpu.memory_space<hbm>>
        %dma_start3A_141 = arith.constant 0 : i32
        %dma_start3A_142 = arith.constant 0 : i32
        %dma_start3A_143 = tpu.memref_slice %arg5[%dma_start3A, %dma_start3A_141, %dma_start3A_142] : memref<2x32x128xf32, #tpu.memory_space<vmem>> -> memref<1x32x128xf32, #tpu.memory_space<vmem>>
        %dma_start3A_144 = tpu.memref_squeeze %dma_start3A_143 : memref<1x32x128xf32, #tpu.memory_space<vmem>> -> memref<32x128xf32, #tpu.memory_space<vmem>>
        tpu.enqueue_dma source(%dma_start3A_144 : memref<32x128xf32, #tpu.memory_space<vmem>>) target(%dma_start3A_140 : memref<32x128xf32, #tpu.memory_space<hbm>>) target_semaphore(%arg8 : memref<!tpu.dma_semaphore, #tpu.memory_space<semaphore_mem>>)
        %add3A_145 = arith.constant 2 : i32
        %add3A_146 = arith.addi %add3A_88, %add3A_145 : i32
        %lt3A_147 = arith.cmpi slt, %add3A_146, %add3A_8 : i32
        %convert_element_type3A_148 = arith.extui %lt3A_147 : i1 to i32
        %cond3A_149 = arith.constant 0 : i32
        %cond3A_150 = arith.cmpi ne, %convert_element_type3A_148, %cond3A_149 : i32
        scf.if %cond3A_150 {
          %add3A_151 = arith.constant 2 : i32
          %add3A_152 = arith.addi %add3A_88, %add3A_151 : i32
          %add3A_153 = arith.addi %add3A_6, %add3A_152 : i32
          %mul3A_154 = arith.constant 1 : i32
          %mul3A_155 = arith.muli %add3A_153, %mul3A_154 : i32
          %add3A_156 = arith.constant 0 : i32
          %add3A_157 = arith.addi %mul3A_155, %add3A_156 : i32
          %mul3A_158 = arith.constant 128 : i32
          %mul3A_159 = arith.muli %add3A_157, %mul3A_158 : i32
          %dma_start3A_160 = arith.constant 0 : i32
          %dma_start3A_161 = arith.constant 0 : i32
          %dma_start3A_162 = arith.constant 0 : i32
          %dma_start3A_163 = arith.constant 0 : i32
          %dma_start3A_164 = tpu.memref_slice %arg4[%dma_start3A_160, %dma_start3A_161, %dma_start3A_162, %dma_start3A_163] : memref<2x1x32x128xf32, #tpu.memory_space<vmem>> -> memref<1x1x32x128xf32, #tpu.memory_space<vmem>>
          %dma_start3A_165 = tpu.memref_squeeze %dma_start3A_164 : memref<1x1x32x128xf32, #tpu.memory_space<vmem>> -> memref<32x128xf32, #tpu.memory_space<vmem>>
          %dma_start3A_166 = arith.constant 0 : i32
          %dma_start3A_167 = tpu.memref_slice %arg2[%dma_start3A_166, %mul3A_159] : memref<32x1000000xf32, #tpu.memory_space<hbm>> -> memref<32x128xf32, #tpu.memory_space<hbm>>
          %dma_start3A_168 = arith.constant 0 : i32
          %dma_start3A_169 = arith.constant 0 : i32
          %dma_start3A_170 = tpu.memref_slice %arg4[%dma_start3A_160, %dma_start3A_161, %dma_start3A_168, %dma_start3A_169] : memref<2x1x32x128xf32, #tpu.memory_space<vmem>> -> memref<1x1x32x128xf32, #tpu.memory_space<vmem>>
          %dma_start3A_171 = tpu.memref_squeeze %dma_start3A_170 : memref<1x1x32x128xf32, #tpu.memory_space<vmem>> -> memref<32x128xf32, #tpu.memory_space<vmem>>
          %dma_start3A_172 = arith.constant 0 : i32
          %dma_start3A_173 = tpu.memref_slice %arg2[%dma_start3A_172, %mul3A_159] : memref<32x1000000xf32, #tpu.memory_space<hbm>> -> memref<32x128xf32, #tpu.memory_space<hbm>>
          tpu.enqueue_dma source(%dma_start3A_173 : memref<32x128xf32, #tpu.memory_space<hbm>>) target(%dma_start3A_171 : memref<32x128xf32, #tpu.memory_space<vmem>>) target_semaphore(%arg6 : memref<!tpu.dma_semaphore, #tpu.memory_space<semaphore_mem>>)
        } else {
        }
      } else {
      }
      %mul3A_93 = arith.constant 2 : i32
      %mul3A_94 = arith.muli %scan3A_84, %mul3A_93 : i32
      %add3A_95 = arith.constant 1 : i32
      %add3A_96 = arith.addi %mul3A_94, %add3A_95 : i32
      %lt3A_97 = arith.cmpi slt, %add3A_96, %add3A_8 : i32
      %convert_element_type3A_98 = arith.extui %lt3A_97 : i1 to i32
      %cond3A_99 = arith.constant 0 : i32
      %cond3A_100 = arith.cmpi ne, %convert_element_type3A_98, %cond3A_99 : i32
      scf.if %cond3A_100 {
        %add3A_101 = arith.addi %add3A_6, %add3A_96 : i32
        %mul3A_102 = arith.constant 1 : i32
        %mul3A_103 = arith.muli %add3A_101, %mul3A_102 : i32
        %add3A_104 = arith.constant 0 : i32
        %add3A_105 = arith.addi %mul3A_103, %add3A_104 : i32
        %mul3A_106 = arith.constant 128 : i32
        %mul3A_107 = arith.muli %add3A_105, %mul3A_106 : i32
        %dma_wait3A = arith.constant 1 : i32
        %dma_wait3A_108 = arith.constant 0 : i32
        %dma_wait3A_109 = arith.constant 0 : i32
        %dma_wait3A_110 = arith.constant 0 : i32
        %dma_wait3A_111 = tpu.memref_slice %arg4[%dma_wait3A, %dma_wait3A_108, %dma_wait3A_109, %dma_wait3A_110] : memref<2x1x32x128xf32, #tpu.memory_space<vmem>> -> memref<1x1x32x128xf32, #tpu.memory_space<vmem>>
        %dma_wait3A_112 = tpu.memref_squeeze %dma_wait3A_111 : memref<1x1x32x128xf32, #tpu.memory_space<vmem>> -> memref<32x128xf32, #tpu.memory_space<vmem>>
        %dma_wait3A_113 = arith.constant 0 : i32
        %dma_wait3A_114 = tpu.memref_slice %arg2[%dma_wait3A_113, %mul3A_107] : memref<32x1000000xf32, #tpu.memory_space<hbm>> -> memref<32x128xf32, #tpu.memory_space<hbm>>
        %dma_wait3A_115 = arith.constant 0 : i32
        %dma_wait3A_116 = arith.constant 0 : i32
        %dma_wait3A_117 = tpu.memref_slice %arg4[%dma_wait3A, %dma_wait3A_108, %dma_wait3A_115, %dma_wait3A_116] : memref<2x1x32x128xf32, #tpu.memory_space<vmem>> -> memref<1x1x32x128xf32, #tpu.memory_space<vmem>>
        %dma_wait3A_118 = tpu.memref_squeeze %dma_wait3A_117 : memref<1x1x32x128xf32, #tpu.memory_space<vmem>> -> memref<32x128xf32, #tpu.memory_space<vmem>>
        %dma_wait3A_119 = arith.constant 0 : i32
        %dma_wait3A_120 = tpu.memref_slice %arg2[%dma_wait3A_119, %mul3A_107] : memref<32x1000000xf32, #tpu.memory_space<hbm>> -> memref<32x128xf32, #tpu.memory_space<hbm>>
        tpu.wait_dma2 semaphore(%arg7 : memref<!tpu.dma_semaphore, #tpu.memory_space<semaphore_mem>>) src(%dma_wait3A_120 : memref<32x128xf32, #tpu.memory_space<hbm>>) dst(%dma_wait3A_118 : memref<32x128xf32, #tpu.memory_space<vmem>>)
        %ge3A_121 = arith.constant 2 : i32
        %ge3A_122 = arith.cmpi sge, %add3A_96, %ge3A_121 : i32
        %convert_element_type3A_123 = arith.extui %ge3A_122 : i1 to i32
        %cond3A_124 = arith.constant 0 : i32
        %cond3A_125 = arith.cmpi ne, %convert_element_type3A_123, %cond3A_124 : i32
        scf.if %cond3A_125 {
          %sub3A_151 = arith.constant 2 : i32
          %sub3A_152 = arith.subi %add3A_96, %sub3A_151 : i32
          %add3A_153 = arith.addi %add3A_6, %sub3A_152 : i32
          %mul3A_154 = arith.constant 32 : i32
          %mul3A_155 = arith.muli %add3A_153, %mul3A_154 : i32
          %dma_wait3A_156 = arith.constant 1 : i32
          %dma_wait3A_157 = arith.constant 0 : i32
          %dma_wait3A_158 = arith.constant 0 : i32
          %dma_wait3A_159 = tpu.memref_slice %arg5[%dma_wait3A_156, %dma_wait3A_157, %dma_wait3A_158] : memref<2x32x128xf32, #tpu.memory_space<vmem>> -> memref<1x32x128xf32, #tpu.memory_space<vmem>>
          %dma_wait3A_160 = tpu.memref_squeeze %dma_wait3A_159 : memref<1x32x128xf32, #tpu.memory_space<vmem>> -> memref<32x128xf32, #tpu.memory_space<vmem>>
          %dma_wait3A_161 = arith.constant 0 : i32
          %dma_wait3A_162 = tpu.memref_slice %arg3[%mul3A_155, %dma_wait3A_161] : memref<250000x128xf32, #tpu.memory_space<hbm>> -> memref<32x128xf32, #tpu.memory_space<hbm>>
          %dma_wait3A_163 = arith.constant 0 : i32
          %dma_wait3A_164 = tpu.memref_slice %arg3[%mul3A_155, %dma_wait3A_163] : memref<250000x128xf32, #tpu.memory_space<hbm>> -> memref<32x128xf32, #tpu.memory_space<hbm>>
          %dma_wait3A_165 = arith.constant 0 : i32
          %dma_wait3A_166 = arith.constant 0 : i32
          %dma_wait3A_167 = tpu.memref_slice %arg5[%dma_wait3A_156, %dma_wait3A_165, %dma_wait3A_166] : memref<2x32x128xf32, #tpu.memory_space<vmem>> -> memref<1x32x128xf32, #tpu.memory_space<vmem>>
          %dma_wait3A_168 = tpu.memref_squeeze %dma_wait3A_167 : memref<1x32x128xf32, #tpu.memory_space<vmem>> -> memref<32x128xf32, #tpu.memory_space<vmem>>
          tpu.wait_dma2 semaphore(%arg9 : memref<!tpu.dma_semaphore, #tpu.memory_space<semaphore_mem>>) src(%dma_wait3A_168 : memref<32x128xf32, #tpu.memory_space<vmem>>) dst(%dma_wait3A_164 : memref<32x128xf32, #tpu.memory_space<hbm>>)
        } else {
        }
        %parallel_loop3A = arith.constant 0 : i32
        %parallel_loop3A_126 = arith.constant 128 : i32
        %parallel_loop3A_127 = arith.constant 1 : i32
        %parallel_loop3A_128 = arith.constant 1 : i32
        %parallel_loop3A_129 = arith.constant 1 : i32
        scf.for %parallel_loop3A_151 = %parallel_loop3A to %parallel_loop3A_126 step %parallel_loop3A_127  : i32 {
          %parallel_loop3A_152 = arith.constant 128 : i32
          %parallel_loop3A_153 = arith.divsi %parallel_loop3A_151, %parallel_loop3A_152 : i32
          %parallel_loop3A_154 = arith.constant 0 : i32
          %parallel_loop3A_155 = arith.cmpi sgt, %parallel_loop3A_151, %parallel_loop3A_154 : i32
          %parallel_loop3A_156 = arith.extui %parallel_loop3A_155 : i1 to i32
          %parallel_loop3A_157 = arith.constant 0 : i32
          %parallel_loop3A_158 = arith.cmpi slt, %parallel_loop3A_151, %parallel_loop3A_157 : i32
          %parallel_loop3A_159 = arith.extui %parallel_loop3A_158 : i1 to i32
          %parallel_loop3A_160 = arith.subi %parallel_loop3A_156, %parallel_loop3A_159 : i32
          %parallel_loop3A_161 = arith.constant 0 : i32
          %parallel_loop3A_162 = arith.cmpi sgt, %parallel_loop3A_152, %parallel_loop3A_161 : i32
          %parallel_loop3A_163 = arith.extui %parallel_loop3A_162 : i1 to i32
          %parallel_loop3A_164 = arith.constant 0 : i32
          %parallel_loop3A_165 = arith.cmpi slt, %parallel_loop3A_152, %parallel_loop3A_164 : i32
          %parallel_loop3A_166 = arith.extui %parallel_loop3A_165 : i1 to i32
          %parallel_loop3A_167 = arith.subi %parallel_loop3A_163, %parallel_loop3A_166 : i32
          %parallel_loop3A_168 = arith.cmpi ne, %parallel_loop3A_160, %parallel_loop3A_167 : i32
          %parallel_loop3A_169 = arith.remsi %parallel_loop3A_151, %parallel_loop3A_152 : i32
          %parallel_loop3A_170 = arith.constant 0 : i32
          %parallel_loop3A_171 = arith.cmpi ne, %parallel_loop3A_169, %parallel_loop3A_170 : i32
          %parallel_loop3A_172 = arith.andi %parallel_loop3A_168, %parallel_loop3A_171 : i1
          %parallel_loop3A_173 = arith.constant 1 : i32
          %parallel_loop3A_174 = arith.subi %parallel_loop3A_153, %parallel_loop3A_173 : i32
          %parallel_loop3A_175 = arith.select %parallel_loop3A_172, %parallel_loop3A_174, %parallel_loop3A_153 : i32
          %parallel_loop3A_176 = arith.constant 3968 : i32
          %parallel_loop3A_177 = arith.muli %parallel_loop3A_175, %parallel_loop3A_176 : i32
          %parallel_loop3A_178 = arith.addi %parallel_loop3A_151, %parallel_loop3A_177 : i32
          %parallel_loop3A_179 = arith.constant 4 : i32
          %parallel_loop3A_180 = arith.divsi %parallel_loop3A_151, %parallel_loop3A_179 : i32
          %parallel_loop3A_181 = arith.constant 0 : i32
          %parallel_loop3A_182 = arith.cmpi sgt, %parallel_loop3A_151, %parallel_loop3A_181 : i32
          %parallel_loop3A_183 = arith.extui %parallel_loop3A_182 : i1 to i32
          %parallel_loop3A_184 = arith.constant 0 : i32
          %parallel_loop3A_185 = arith.cmpi slt, %parallel_loop3A_151, %parallel_loop3A_184 : i32
          %parallel_loop3A_186 = arith.extui %parallel_loop3A_185 : i1 to i32
          %parallel_loop3A_187 = arith.subi %parallel_loop3A_183, %parallel_loop3A_186 : i32
          %parallel_loop3A_188 = arith.constant 0 : i32
          %parallel_loop3A_189 = arith.cmpi sgt, %parallel_loop3A_179, %parallel_loop3A_188 : i32
          %parallel_loop3A_190 = arith.extui %parallel_loop3A_189 : i1 to i32
          %parallel_loop3A_191 = arith.constant 0 : i32
          %parallel_loop3A_192 = arith.cmpi slt, %parallel_loop3A_179, %parallel_loop3A_191 : i32
          %parallel_loop3A_193 = arith.extui %parallel_loop3A_192 : i1 to i32
          %parallel_loop3A_194 = arith.subi %parallel_loop3A_190, %parallel_loop3A_193 : i32
          %parallel_loop3A_195 = arith.cmpi ne, %parallel_loop3A_187, %parallel_loop3A_194 : i32
          %parallel_loop3A_196 = arith.remsi %parallel_loop3A_151, %parallel_loop3A_179 : i32
          %parallel_loop3A_197 = arith.constant 0 : i32
          %parallel_loop3A_198 = arith.cmpi ne, %parallel_loop3A_196, %parallel_loop3A_197 : i32
          %parallel_loop3A_199 = arith.andi %parallel_loop3A_195, %parallel_loop3A_198 : i1
          %parallel_loop3A_200 = arith.constant 1 : i32
          %parallel_loop3A_201 = arith.subi %parallel_loop3A_180, %parallel_loop3A_200 : i32
          %parallel_loop3A_202 = arith.select %parallel_loop3A_199, %parallel_loop3A_201, %parallel_loop3A_180 : i32
          %parallel_loop3A_203 = arith.constant 4 : i32
          %parallel_loop3A_204 = arith.constant 0 : i32
          %parallel_loop3A_205 = arith.cmpi eq, %parallel_loop3A_203, %parallel_loop3A_204 : i32
          %parallel_loop3A_206 = arith.constant 1 : i32
          %parallel_loop3A_207 = arith.select %parallel_loop3A_205, %parallel_loop3A_206, %parallel_loop3A_203 : i32
          %parallel_loop3A_208 = arith.remsi %parallel_loop3A_151, %parallel_loop3A_207 : i32
          %parallel_loop3A_209 = arith.constant 0 : i32
          %parallel_loop3A_210 = arith.cmpi ne, %parallel_loop3A_208, %parallel_loop3A_209 : i32
          %parallel_loop3A_211 = arith.constant 0 : i32
          %parallel_loop3A_212 = arith.cmpi slt, %parallel_loop3A_208, %parallel_loop3A_211 : i32
          %parallel_loop3A_213 = arith.constant 0 : i32
          %parallel_loop3A_214 = arith.cmpi slt, %parallel_loop3A_207, %parallel_loop3A_213 : i32
          %parallel_loop3A_215 = arith.xori %parallel_loop3A_212, %parallel_loop3A_214 : i1
          %parallel_loop3A_216 = arith.andi %parallel_loop3A_215, %parallel_loop3A_210 : i1
          %parallel_loop3A_217 = arith.addi %parallel_loop3A_208, %parallel_loop3A_207 : i32
          %parallel_loop3A_218 = arith.select %parallel_loop3A_216, %parallel_loop3A_217, %parallel_loop3A_208 : i32
          %parallel_loop3A_219 = arith.constant 32 : i32
          %parallel_loop3A_220 = arith.muli %parallel_loop3A_218, %parallel_loop3A_219 : i32
          %parallel_loop3A_221 = vector.broadcast %parallel_loop3A_178 : i32 to vector<16xi32>
          %parallel_loop3A_222 = arith.addi %mul3A_14, %parallel_loop3A_221 : vector<16xi32>
          %parallel_loop3A_223 = arith.constant 0 : i32
          %parallel_loop3A_224 = arith.constant 0 : i32
          %parallel_loop3A_225 = arith.constant 0 : i32
          %parallel_loop3A_226 = tpu.memref_slice %arg4[%parallel_loop3A_128, %parallel_loop3A_223, %parallel_loop3A_224, %parallel_loop3A_225] : memref<2x1x32x128xf32, #tpu.memory_space<vmem>> -> memref<1x1x32x128xf32, #tpu.memory_space<vmem>>
          %parallel_loop3A_227 = tpu.memref_squeeze %parallel_loop3A_226 : memref<1x1x32x128xf32, #tpu.memory_space<vmem>> -> memref<1x32x128xf32, #tpu.memory_space<vmem>>
          %parallel_loop3A_228 = tpu.vector_load_idx %parallel_loop3A_227[%mul3A_11, %mul3A_11, %parallel_loop3A_222] : memref<1x32x128xf32, #tpu.memory_space<vmem>>[vector<16xi32>, vector<16xi32>, vector<16xi32>], vector<16xf32>,
          %parallel_loop3A_229 = arith.constant 0 : i32
          %parallel_loop3A_230 = arith.constant 0 : i32
          %parallel_loop3A_231 = tpu.memref_slice %arg5[%parallel_loop3A_129, %parallel_loop3A_229, %parallel_loop3A_230] : memref<2x32x128xf32, #tpu.memory_space<vmem>> -> memref<1x32x128xf32, #tpu.memory_space<vmem>>
          %parallel_loop3A_232 = tpu.memref_squeeze %parallel_loop3A_231 : memref<1x32x128xf32, #tpu.memory_space<vmem>> -> memref<32x128xf32, #tpu.memory_space<vmem>>
          %parallel_loop3A_233 = arith.index_cast %parallel_loop3A_202 : i32 to index
          %parallel_loop3A_234 = arith.index_cast %parallel_loop3A_220 : i32 to index
          %parallel_loop3A_235 = tpu.vector_load %parallel_loop3A_232[%parallel_loop3A_233, %parallel_loop3A_234] {strides = array<i32>} : memref<32x128xf32, #tpu.memory_space<vmem>>, vector<16xf32>,
          tpu.vector_store %parallel_loop3A_232[%parallel_loop3A_233, %parallel_loop3A_234], %parallel_loop3A_228 {strides = array<i32>} : memref<32x128xf32, #tpu.memory_space<vmem>>, vector<16xf32>,
          %parallel_loop3A_236 = vector.broadcast %parallel_loop3A_178 : i32 to vector<16xi32>
          %parallel_loop3A_237 = arith.addi %add3A_17, %parallel_loop3A_236 : vector<16xi32>
          %parallel_loop3A_238 = arith.constant 0 : i32
          %parallel_loop3A_239 = arith.constant 0 : i32
          %parallel_loop3A_240 = arith.constant 0 : i32
          %parallel_loop3A_241 = tpu.memref_slice %arg4[%parallel_loop3A_128, %parallel_loop3A_238, %parallel_loop3A_239, %parallel_loop3A_240] : memref<2x1x32x128xf32, #tpu.memory_space<vmem>> -> memref<1x1x32x128xf32, #tpu.memory_space<vmem>>
          %parallel_loop3A_242 = tpu.memref_squeeze %parallel_loop3A_241 : memref<1x1x32x128xf32, #tpu.memory_space<vmem>> -> memref<1x32x128xf32, #tpu.memory_space<vmem>>
          %parallel_loop3A_243 = tpu.vector_load_idx %parallel_loop3A_242[%mul3A_11, %mul3A_11, %parallel_loop3A_237] : memref<1x32x128xf32, #tpu.memory_space<vmem>>[vector<16xi32>, vector<16xi32>, vector<16xi32>], vector<16xf32>,
          %parallel_loop3A_244 = arith.constant 16 : i32
          %parallel_loop3A_245 = arith.addi %parallel_loop3A_220, %parallel_loop3A_244 : i32
          %parallel_loop3A_246 = arith.constant 0 : i32
          %parallel_loop3A_247 = arith.constant 0 : i32
          %parallel_loop3A_248 = tpu.memref_slice %arg5[%parallel_loop3A_129, %parallel_loop3A_246, %parallel_loop3A_247] : memref<2x32x128xf32, #tpu.memory_space<vmem>> -> memref<1x32x128xf32, #tpu.memory_space<vmem>>
          %parallel_loop3A_249 = tpu.memref_squeeze %parallel_loop3A_248 : memref<1x32x128xf32, #tpu.memory_space<vmem>> -> memref<32x128xf32, #tpu.memory_space<vmem>>
          %parallel_loop3A_250 = arith.index_cast %parallel_loop3A_202 : i32 to index
          %parallel_loop3A_251 = arith.index_cast %parallel_loop3A_245 : i32 to index
          %parallel_loop3A_252 = tpu.vector_load %parallel_loop3A_249[%parallel_loop3A_250, %parallel_loop3A_251] {strides = array<i32>} : memref<32x128xf32, #tpu.memory_space<vmem>>, vector<16xf32>,
          tpu.vector_store %parallel_loop3A_249[%parallel_loop3A_250, %parallel_loop3A_251], %parallel_loop3A_243 {strides = array<i32>} : memref<32x128xf32, #tpu.memory_space<vmem>>, vector<16xf32>,
        } {sc.loop_unroll_factor = 8 : i64, sc.parallel_access}
        %add3A_130 = arith.addi %add3A_6, %add3A_96 : i32
        %mul3A_131 = arith.constant 32 : i32
        %mul3A_132 = arith.muli %add3A_130, %mul3A_131 : i32
        %dma_start3A = arith.constant 1 : i32
        %dma_start3A_133 = arith.constant 0 : i32
        %dma_start3A_134 = arith.constant 0 : i32
        %dma_start3A_135 = tpu.memref_slice %arg5[%dma_start3A, %dma_start3A_133, %dma_start3A_134] : memref<2x32x128xf32, #tpu.memory_space<vmem>> -> memref<1x32x128xf32, #tpu.memory_space<vmem>>
        %dma_start3A_136 = tpu.memref_squeeze %dma_start3A_135 : memref<1x32x128xf32, #tpu.memory_space<vmem>> -> memref<32x128xf32, #tpu.memory_space<vmem>>
        %dma_start3A_137 = arith.constant 0 : i32
        %dma_start3A_138 = tpu.memref_slice %arg3[%mul3A_132, %dma_start3A_137] : memref<250000x128xf32, #tpu.memory_space<hbm>> -> memref<32x128xf32, #tpu.memory_space<hbm>>
        %dma_start3A_139 = arith.constant 0 : i32
        %dma_start3A_140 = tpu.memref_slice %arg3[%mul3A_132, %dma_start3A_139] : memref<250000x128xf32, #tpu.memory_space<hbm>> -> memref<32x128xf32, #tpu.memory_space<hbm>>
        %dma_start3A_141 = arith.constant 0 : i32
        %dma_start3A_142 = arith.constant 0 : i32
        %dma_start3A_143 = tpu.memref_slice %arg5[%dma_start3A, %dma_start3A_141, %dma_start3A_142] : memref<2x32x128xf32, #tpu.memory_space<vmem>> -> memref<1x32x128xf32, #tpu.memory_space<vmem>>
        %dma_start3A_144 = tpu.memref_squeeze %dma_start3A_143 : memref<1x32x128xf32, #tpu.memory_space<vmem>> -> memref<32x128xf32, #tpu.memory_space<vmem>>
        tpu.enqueue_dma source(%dma_start3A_144 : memref<32x128xf32, #tpu.memory_space<vmem>>) target(%dma_start3A_140 : memref<32x128xf32, #tpu.memory_space<hbm>>) target_semaphore(%arg9 : memref<!tpu.dma_semaphore, #tpu.memory_space<semaphore_mem>>)
        %add3A_145 = arith.constant 2 : i32
        %add3A_146 = arith.addi %add3A_96, %add3A_145 : i32
        %lt3A_147 = arith.cmpi slt, %add3A_146, %add3A_8 : i32
        %convert_element_type3A_148 = arith.extui %lt3A_147 : i1 to i32
        %cond3A_149 = arith.constant 0 : i32
        %cond3A_150 = arith.cmpi ne, %convert_element_type3A_148, %cond3A_149 : i32
        scf.if %cond3A_150 {
          %add3A_151 = arith.constant 2 : i32
          %add3A_152 = arith.addi %add3A_96, %add3A_151 : i32
          %add3A_153 = arith.addi %add3A_6, %add3A_152 : i32
          %mul3A_154 = arith.constant 1 : i32
          %mul3A_155 = arith.muli %add3A_153, %mul3A_154 : i32
          %add3A_156 = arith.constant 0 : i32
          %add3A_157 = arith.addi %mul3A_155, %add3A_156 : i32
          %mul3A_158 = arith.constant 128 : i32
          %mul3A_159 = arith.muli %add3A_157, %mul3A_158 : i32
          %dma_start3A_160 = arith.constant 1 : i32
          %dma_start3A_161 = arith.constant 0 : i32
          %dma_start3A_162 = arith.constant 0 : i32
          %dma_start3A_163 = arith.constant 0 : i32
          %dma_start3A_164 = tpu.memref_slice %arg4[%dma_start3A_160, %dma_start3A_161, %dma_start3A_162, %dma_start3A_163] : memref<2x1x32x128xf32, #tpu.memory_space<vmem>> -> memref<1x1x32x128xf32, #tpu.memory_space<vmem>>
          %dma_start3A_165 = tpu.memref_squeeze %dma_start3A_164 : memref<1x1x32x128xf32, #tpu.memory_space<vmem>> -> memref<32x128xf32, #tpu.memory_space<vmem>>
          %dma_start3A_166 = arith.constant 0 : i32
          %dma_start3A_167 = tpu.memref_slice %arg2[%dma_start3A_166, %mul3A_159] : memref<32x1000000xf32, #tpu.memory_space<hbm>> -> memref<32x128xf32, #tpu.memory_space<hbm>>
          %dma_start3A_168 = arith.constant 0 : i32
          %dma_start3A_169 = arith.constant 0 : i32
          %dma_start3A_170 = tpu.memref_slice %arg4[%dma_start3A_160, %dma_start3A_161, %dma_start3A_168, %dma_start3A_169] : memref<2x1x32x128xf32, #tpu.memory_space<vmem>> -> memref<1x1x32x128xf32, #tpu.memory_space<vmem>>
          %dma_start3A_171 = tpu.memref_squeeze %dma_start3A_170 : memref<1x1x32x128xf32, #tpu.memory_space<vmem>> -> memref<32x128xf32, #tpu.memory_space<vmem>>
          %dma_start3A_172 = arith.constant 0 : i32
          %dma_start3A_173 = tpu.memref_slice %arg2[%dma_start3A_172, %mul3A_159] : memref<32x1000000xf32, #tpu.memory_space<hbm>> -> memref<32x128xf32, #tpu.memory_space<hbm>>
          tpu.enqueue_dma source(%dma_start3A_173 : memref<32x128xf32, #tpu.memory_space<hbm>>) target(%dma_start3A_171 : memref<32x128xf32, #tpu.memory_space<vmem>>) target_semaphore(%arg7 : memref<!tpu.dma_semaphore, #tpu.memory_space<semaphore_mem>>)
        } else {
        }
      } else {
      }
    }
    %scan3A_29 = arith.constant 123 : i32
    %sub3A = arith.constant 1 : i32
    %sub3A_30 = arith.subi %add3A_8, %sub3A : i32
    %jit3A_31 = arith.constant 2 : i32
    %eq3A = arith.constant 0 : i32
    %eq3A_32 = arith.cmpi eq, %jit3A_31, %eq3A : i32
    %jit3A_33 = arith.constant 1 : i32
    %select_n3A_34 = arith.select %eq3A_32, %jit3A_33, %jit3A_31 : i32
    %rem3A = arith.remsi %sub3A_30, %select_n3A_34 : i32
    %ne3A = arith.constant 0 : i32
    %ne3A_35 = arith.cmpi ne, %rem3A, %ne3A : i32
    %lt3A_36 = arith.constant 0 : i32
    %lt3A_37 = arith.cmpi slt, %rem3A, %lt3A_36 : i32
    %lt3A_38 = arith.constant 0 : i32
    %lt3A_39 = arith.cmpi slt, %select_n3A_34, %lt3A_38 : i32
    %ne3A_40 = arith.xori %lt3A_37, %lt3A_39 : i1
    %and3A = arith.andi %ne3A_40, %ne3A_35 : i1
    %add3A_41 = arith.addi %rem3A, %select_n3A_34 : i32
    %select_n3A_42 = arith.select %and3A, %add3A_41, %rem3A : i32
    %eq3A_43 = arith.constant 0 : i32
    %eq3A_44 = arith.cmpi eq, %select_n3A_42, %eq3A_43 : i32
    %sub3A_45 = arith.constant 1 : i32
    %sub3A_46 = arith.subi %add3A_8, %sub3A_45 : i32
    %sub3A_47 = arith.constant 2 : i32
    %sub3A_48 = arith.subi %add3A_8, %sub3A_47 : i32
    %select_n3A_49 = arith.select %eq3A_44, %sub3A_46, %sub3A_48 : i32
    %ge3A = arith.constant 0 : i32
    %ge3A_50 = arith.cmpi sge, %select_n3A_49, %ge3A : i32
    %convert_element_type3A_51 = arith.extui %ge3A_50 : i1 to i32
    %cond3A_52 = arith.constant 0 : i32
    %cond3A_53 = arith.cmpi ne, %convert_element_type3A_51, %cond3A_52 : i32
    scf.if %cond3A_53 {
      %add3A_84 = arith.addi %add3A_6, %select_n3A_49 : i32
      %mul3A_85 = arith.constant 32 : i32
      %mul3A_86 = arith.muli %add3A_84, %mul3A_85 : i32
      %dma_wait3A = arith.constant 0 : i32
      %dma_wait3A_87 = arith.constant 0 : i32
      %dma_wait3A_88 = arith.constant 0 : i32
      %dma_wait3A_89 = tpu.memref_slice %arg5[%dma_wait3A, %dma_wait3A_87, %dma_wait3A_88] : memref<2x32x128xf32, #tpu.memory_space<vmem>> -> memref<1x32x128xf32, #tpu.memory_space<vmem>>
      %dma_wait3A_90 = tpu.memref_squeeze %dma_wait3A_89 : memref<1x32x128xf32, #tpu.memory_space<vmem>> -> memref<32x128xf32, #tpu.memory_space<vmem>>
      %dma_wait3A_91 = arith.constant 0 : i32
      %dma_wait3A_92 = tpu.memref_slice %arg3[%mul3A_86, %dma_wait3A_91] : memref<250000x128xf32, #tpu.memory_space<hbm>> -> memref<32x128xf32, #tpu.memory_space<hbm>>
      %dma_wait3A_93 = arith.constant 0 : i32
      %dma_wait3A_94 = tpu.memref_slice %arg3[%mul3A_86, %dma_wait3A_93] : memref<250000x128xf32, #tpu.memory_space<hbm>> -> memref<32x128xf32, #tpu.memory_space<hbm>>
      %dma_wait3A_95 = arith.constant 0 : i32
      %dma_wait3A_96 = arith.constant 0 : i32
      %dma_wait3A_97 = tpu.memref_slice %arg5[%dma_wait3A, %dma_wait3A_95, %dma_wait3A_96] : memref<2x32x128xf32, #tpu.memory_space<vmem>> -> memref<1x32x128xf32, #tpu.memory_space<vmem>>
      %dma_wait3A_98 = tpu.memref_squeeze %dma_wait3A_97 : memref<1x32x128xf32, #tpu.memory_space<vmem>> -> memref<32x128xf32, #tpu.memory_space<vmem>>
      tpu.wait_dma2 semaphore(%arg8 : memref<!tpu.dma_semaphore, #tpu.memory_space<semaphore_mem>>) src(%dma_wait3A_98 : memref<32x128xf32, #tpu.memory_space<vmem>>) dst(%dma_wait3A_94 : memref<32x128xf32, #tpu.memory_space<hbm>>)
    } else {
    }
    %sub3A_54 = arith.constant 1 : i32
    %sub3A_55 = arith.subi %add3A_8, %sub3A_54 : i32
    %jit3A_56 = arith.constant 2 : i32
    %eq3A_57 = arith.constant 0 : i32
    %eq3A_58 = arith.cmpi eq, %jit3A_56, %eq3A_57 : i32
    %jit3A_59 = arith.constant 1 : i32
    %select_n3A_60 = arith.select %eq3A_58, %jit3A_59, %jit3A_56 : i32
    %rem3A_61 = arith.remsi %sub3A_55, %select_n3A_60 : i32
    %ne3A_62 = arith.constant 0 : i32
    %ne3A_63 = arith.cmpi ne, %rem3A_61, %ne3A_62 : i32
    %lt3A_64 = arith.constant 0 : i32
    %lt3A_65 = arith.cmpi slt, %rem3A_61, %lt3A_64 : i32
    %lt3A_66 = arith.constant 0 : i32
    %lt3A_67 = arith.cmpi slt, %select_n3A_60, %lt3A_66 : i32
    %ne3A_68 = arith.xori %lt3A_65, %lt3A_67 : i1
    %and3A_69 = arith.andi %ne3A_68, %ne3A_63 : i1
    %add3A_70 = arith.addi %rem3A_61, %select_n3A_60 : i32
    %select_n3A_71 = arith.select %and3A_69, %add3A_70, %rem3A_61 : i32
    %eq3A_72 = arith.constant 1 : i32
    %eq3A_73 = arith.cmpi eq, %select_n3A_71, %eq3A_72 : i32
    %sub3A_74 = arith.constant 1 : i32
    %sub3A_75 = arith.subi %add3A_8, %sub3A_74 : i32
    %sub3A_76 = arith.constant 2 : i32
    %sub3A_77 = arith.subi %add3A_8, %sub3A_76 : i32
    %select_n3A_78 = arith.select %eq3A_73, %sub3A_75, %sub3A_77 : i32
    %ge3A_79 = arith.constant 0 : i32
    %ge3A_80 = arith.cmpi sge, %select_n3A_78, %ge3A_79 : i32
    %convert_element_type3A_81 = arith.extui %ge3A_80 : i1 to i32
    %cond3A_82 = arith.constant 0 : i32
    %cond3A_83 = arith.cmpi ne, %convert_element_type3A_81, %cond3A_82 : i32
    scf.if %cond3A_83 {
      %add3A_84 = arith.addi %add3A_6, %select_n3A_78 : i32
      %mul3A_85 = arith.constant 32 : i32
      %mul3A_86 = arith.muli %add3A_84, %mul3A_85 : i32
      %dma_wait3A = arith.constant 1 : i32
      %dma_wait3A_87 = arith.constant 0 : i32
      %dma_wait3A_88 = arith.constant 0 : i32
      %dma_wait3A_89 = tpu.memref_slice %arg5[%dma_wait3A, %dma_wait3A_87, %dma_wait3A_88] : memref<2x32x128xf32, #tpu.memory_space<vmem>> -> memref<1x32x128xf32, #tpu.memory_space<vmem>>
      %dma_wait3A_90 = tpu.memref_squeeze %dma_wait3A_89 : memref<1x32x128xf32, #tpu.memory_space<vmem>> -> memref<32x128xf32, #tpu.memory_space<vmem>>
      %dma_wait3A_91 = arith.constant 0 : i32
      %dma_wait3A_92 = tpu.memref_slice %arg3[%mul3A_86, %dma_wait3A_91] : memref<250000x128xf32, #tpu.memory_space<hbm>> -> memref<32x128xf32, #tpu.memory_space<hbm>>
      %dma_wait3A_93 = arith.constant 0 : i32
      %dma_wait3A_94 = tpu.memref_slice %arg3[%mul3A_86, %dma_wait3A_93] : memref<250000x128xf32, #tpu.memory_space<hbm>> -> memref<32x128xf32, #tpu.memory_space<hbm>>
      %dma_wait3A_95 = arith.constant 0 : i32
      %dma_wait3A_96 = arith.constant 0 : i32
      %dma_wait3A_97 = tpu.memref_slice %arg5[%dma_wait3A, %dma_wait3A_95, %dma_wait3A_96] : memref<2x32x128xf32, #tpu.memory_space<vmem>> -> memref<1x32x128xf32, #tpu.memory_space<vmem>>
      %dma_wait3A_98 = tpu.memref_squeeze %dma_wait3A_97 : memref<1x32x128xf32, #tpu.memory_space<vmem>> -> memref<32x128xf32, #tpu.memory_space<vmem>>
      tpu.wait_dma2 semaphore(%arg9 : memref<!tpu.dma_semaphore, #tpu.memory_space<semaphore_mem>>) src(%dma_wait3A_98 : memref<32x128xf32, #tpu.memory_space<vmem>>) dst(%dma_wait3A_94 : memref<32x128xf32, #tpu.memory_space<hbm>>)
    } else {
    }
    return
  }
}

</mosaic_0001>

<sc_bundles>
// kernel: kernel.4.cloned.1.call-start
scs
__scs_entry_jumppad:
0x0: {  	(pc) =	sbr.rel $0x88, $3  }
0x1: {  	(tag) =	ssettag $0x0;
	lr =	simm.s32 $0x1  }
0x2: {  	[smem:$0x3F9F] =	sst lr;
	_ =	strace $0xD0000000  }
0x3: {  	_ = 	snop  }
0x4: {  	_ = 	snop  }
0x5: {  	_ = 	snop  }
0x6: {  	_ = 	snop  }
0x7: {  	_ = 	snop  }
__scs_overlays_trampoline_lowered:
0x8: {  	[smem:$0x3FAE] =	sst s0  }
0x9: {  	[smem:$0x3FAF] =	sst s1  }
0xa: {  	[smem:$0x3FB0] =	sst s2  }
0xb: {  	[smem:$0x3FB1] =	sst s3  }
0xc: {  	[smem:$0x3FB2] =	sst s4  }
0xd: {  	[smem:$0x3FB3] =	sst s5  }
0xe: {  	[smem:$0x3FB4] =	sst s6  }
0xf: {  	[smem:$0x3FB5] =	sst s7  }
0x10: {  	[smem:$0x3FB6] =	sst s8  }
0x11: {  	[smem:$0x3FB7] =	sst s9;
	s0 =	simm.s32 @!p0 $0x0  }
0x12: {  	s1 =	sld [smem:$0x3F9D];
	s0 =	simm.s32 @p0 $0x1  }
0x13: {  	[smem:$0x3FB8] =	sst s0;
	s0 =	simm.s32 @!p1 $0x0  }
0x14: {  	s2 =	sld [smem:$0x3F9C];
	s0 =	simm.s32 @p1 $0x1  }
0x15: {  	[smem:$0x3FB9] =	sst s0;
	s0 =	simm.s32 @!p2 $0x0  }
0x16: {  	s3 =	sld [smem:$0x3FDB];
	s0 =	simm.s32 @p2 $0x1  }
0x17: {  	s4 =	simm.s32 $0x1BF5;
	[smem:$0x3FBB] =	sst s0  }
0x18: {  	s0 =	sld [smem:$0x3F9E];
	_ =	swait.ge [sflag:s4], $0x0  }
0x19: {  	s7 =	sld [smem:$0x3F9F]  }
0x1a: {  	s8 =	sadd.s32 $0xFFFFE003, lr  }
0x1b: {  	s9 =	sadd.s32 $0xFFFFFEF7, lr;
	s5 =	simm.s32 $0xFFFFFFFF;
	p2 =	slt.u32 s8, $0xFFFFF086  }
0x1c: {  	p1 =	slt.u32 s9, $0xF7A;
	s5 =	simm.s32 @!p2 $0x0  }
0x1d: {  	s5 =	simm.s32 @p1 $0x1;
	p0 =	seq.s32 s7, s2  }
0x1e: {  	s7 =	smul.u32 @!p0 $0xF7A, s2;
	p2 =	seq.s32 @!p0 s5, $0x0  }
0x1f: {  	s9 =	smul.u32 $0xF7A, s1;
	s8 =	simm.s32 @!p0 $0x1BF5;
	p2 =	por !p2, p0  }
0x20: {  	[sflag:s8] =	ssyncset.s32 @!p0 $0xFFFFF086;
	s6 =	sadd.s32 @!p0 s3, s7;
	s7 =	simm.s32 @!p0 $0x108  }
0x21: {  	s3 =	sadd.s32 s3, s9;
	s6 =	sadd.s32 @!p0 $0x88, s6;
	s7 =	simm.s32 @p2 $0x1082  }
0x22: {  	[simem:s7], [sflag:s8] =	dma.local @!p0 [hbm:s6], $0xF7A  }
0x23: {  	s9 =	sor.u32 $0xD0000000, s2;
	s6 =	simm.s32 $0x108;
	_ =	swait.ge @!p0 [sflag:s8], $0x0  }
0x24: {  	s3 =	sadd.s32 $0x88, s3;
	s6 =	simm.s32 @!p1 $0x1082;
	[sflag:s4] =	ssyncset.s32 $0xFFFFF086  }
0x25: {  	[simem:s6], [sflag:s4] =	dma.local [hbm:s3], $0xF7A  }
0x26: {  	[smem:$0x3F9F] =	sst s1;
	(tag) =	ssettag s2;
	_ =	strace s9  }
0x27: {  	s1 =	sld [smem:$0x3FAF]  }
0x28: {  	s2 =	sld [smem:$0x3FB0]  }
0x29: {  	s4 =	sld [smem:$0x3FB2]  }
0x2a: {  	p0 =	seq.s32 s5, $0x0;
	s5 =	sld [smem:$0x3FB3]  }
0x2b: {  	s6 =	sld [smem:$0x3FB4]  }
0x2c: {  	s7 =	sld [smem:$0x3FB5]  }
0x2d: {  	s3 =	simm.s32 $0x108;
	s8 =	sld [smem:$0x3FB6]  }
0x2e: {  	s3 =	simm.s32 @!p0 $0x1082;
	s9 =	sld [smem:$0x3FB7]  }
0x2f: {  	lr =	sadd.s32 s0, s3;
	s0 =	sld [smem:$0x3FAE]  }
0x30: {  	s3 =	sld [smem:$0x3FB1]  }
0x31: {  	[smem:$0x3FBA] =	sst s10  }
0x32: {  	s10 =	sld [smem:$0x3FB8];
	_ =	sdelay $0x3  }
0x33: {  	p0 =	seq.s32 s10, $0x1;
	s10 =	sld [smem:$0x3FBA];
	_ =	sdelay $0x3  }
0x34: {  	[smem:$0x3FBA] =	sst s10  }
0x35: {  	s10 =	sld [smem:$0x3FB9];
	_ =	sdelay $0x3  }
0x36: {  	p1 =	seq.s32 s10, $0x1;
	s10 =	sld [smem:$0x3FBA];
	_ =	sdelay $0x3  }
0x37: {  	[smem:$0x3FBA] =	sst s10  }
0x38: {  	s10 =	sld [smem:$0x3FBB]  }
0x39: {  	_ = 	snop;
	(pc) =	sbr.ind lr, $3  }
0x3a: {  	_ = 	snop  }
0x3b: {  	_ = 	snop  }
0x3c: {  	p2 =	seq.s32 s10, $0x1;
	s10 =	sld [smem:$0x3FBA]  }
0x3d: {  	_ =	shalt  }
0x3e: {  	_ =	shalt  }
0x3f: {  	_ =	shalt  }
0x40: {  	_ =	shalt  }
0x41: {  	_ =	shalt  }
0x42: {  	_ =	shalt  }
0x43: {  	_ =	shalt  }
0x44: {  	_ =	shalt  }
0x45: {  	_ =	shalt  }
0x46: {  	_ =	shalt  }
0x47: {  	_ =	shalt  }
0x48: {  	_ =	shalt  }
0x49: {  	_ =	shalt  }
0x4a: {  	_ =	shalt  }
0x4b: {  	_ =	shalt  }
0x4c: {  	_ =	shalt  }
0x4d: {  	_ =	shalt  }
0x4e: {  	_ =	shalt  }
0x4f: {  	_ =	shalt  }
0x50: {  	_ =	shalt  }
0x51: {  	_ =	shalt  }
0x52: {  	_ =	shalt  }
0x53: {  	_ =	shalt  }
0x54: {  	_ =	shalt  }
0x55: {  	_ =	shalt  }
0x56: {  	_ =	shalt  }
0x57: {  	_ =	shalt  }
0x58: {  	_ =	shalt  }
0x59: {  	_ =	shalt  }
0x5a: {  	_ =	shalt  }
0x5b: {  	_ =	shalt  }
0x5c: {  	_ =	shalt  }
0x5d: {  	_ =	shalt  }
0x5e: {  	_ =	shalt  }
0x5f: {  	_ =	shalt  }
0x60: {  	_ =	shalt  }
0x61: {  	_ =	shalt  }
0x62: {  	_ =	shalt  }
0x63: {  	_ =	shalt  }
0x64: {  	_ =	shalt  }
0x65: {  	_ =	shalt  }
0x66: {  	_ =	shalt  }
0x67: {  	_ =	shalt  }
0x68: {  	_ =	shalt  }
0x69: {  	_ =	shalt  }
0x6a: {  	_ =	shalt  }
0x6b: {  	_ =	shalt  }
0x6c: {  	_ =	shalt  }
0x6d: {  	_ =	shalt  }
0x6e: {  	_ =	shalt  }
0x6f: {  	_ =	shalt  }
0x70: {  	_ =	shalt  }
0x71: {  	_ =	shalt  }
0x72: {  	_ =	shalt  }
0x73: {  	_ =	shalt  }
0x74: {  	_ =	shalt  }
0x75: {  	_ =	shalt  }
0x76: {  	_ =	shalt  }
0x77: {  	_ =	shalt  }
0x78: {  	_ =	shalt  }
0x79: {  	_ =	shalt  }
0x7a: {  	_ =	shalt  }
0x7b: {  	_ =	shalt  }
0x7c: {  	_ =	shalt  }
0x7d: {  	_ =	shalt  }
0x7e: {  	_ =	shalt  }
0x7f: {  	_ =	shalt  }
0x80: {  	_ =	shalt  }
0x81: {  	_ =	shalt  }
0x82: {  	_ =	shalt  }
0x83: {  	_ =	shalt  }
0x84: {  	_ =	shalt  }
0x85: {  	_ =	shalt  }
0x86: {  	_ =	shalt  }
0x87: {  	_ =	shalt  }
.Lfunc_end0:
.L_simem_size_0:
called_computation.1_lowered:
.L_overlay_start_0:
0x88: {  	s2 =	sld [smem:$0x3FD9]  }
0x89: {  	s3 =	sld [smem:$0x3FFE];
	_ =	sdelay $0x1  }
0x8a: {  	s1 =	srdreg.scid  }
0x8b: {  	s0 =	sand.u32 $0x1, s1  }
0x8c: {  	s17 =	sshll.u32 s0, $0xA;
	s2 =	sadd.s32 s3, s2  }
0x8d: {  	s2 =	sadd.s32 s2, s17  }
0x8e: {  	[smem:$0x3FC6] =	sst s2  }
0x8f: {  	_ = 	snop  }
0x90: {  	s2 =	sld [smem:$0x3FC8];
	(tm) =	ssettm $0x1  }
0x91: {  	s18 =	sld [smem:$0x3FFB];
	_ =	sdelay $0x3  }
0x92: {  	_ =	strace s18  }
0x93: {  	s3 =	sld [smem:$0x3FFC];
	_ =	sdelay $0x3  }
0x94: {  	_ =	strace s3  }
0x95: {  	s3 =	sld [smem:$0x3FFD];
	_ =	sdelay $0x3  }
0x96: {  	_ =	strace s3  }
0x97: {  	_ =	strace $0x8FFFFFFF  }
0x98: {  	s19 =	sld [smem:$0x3FDB];
	_ =	sdelay $0x1  }
0x99: {  	s4 =	simm.s32 $_scs_section_size  }
0x9a: {  	s5 =	simm.s32 $_size__tile_overlayer_lowered;
	s6 =	simm.s32 $_tile_overlayer_lowered  }
0x9b: {  	s22 =	simm.s32 $0x1BFF;
	s21 =	sshll.u32 s6, $0x1;
	s3 =	sadd.s32 s4, s19  }
0x9c: {  	s7 =	simm.s32 $0x0;
	s20 =	sshll.u32 s5, $0x1;
	s5 =	sadd.s32 s21, s3  }
0x9d: {  	[timem:s7], [sflag:s22] =	dma.local [hbm:s5], s20  }
0x9e: {  	_ =	swait.ge [sflag:s22], s20  }
0x9f: {  	s4 =	ssub.s32 $0x0, s20;
	[sflag:s22] =	ssyncset.done $0x0  }
0xa0: {  	[sflag:s22] =	ssyncadd.s32 s4;
	_ =	sdelay $0x1  }
0xa1: {  	s23 =	simm.s32 $0x1B8B  }
0xa2: {  	_ =	swait.ge [sflag:s23], $0x1  }
0xa3: {  	[sflag:s23] =	ssyncset.done $0x0  }
0xa4: {  	s25 =	simm.s32 $0x1B8E;
	s24 =	sld [smem:$0x3FFE];
	[sflag:s23] =	ssyncadd.s32 $0xFFFFFFFF  }
0xa5: {  	s26 =	simm.s32 $execute0_lowered;
	[smem:$0x3FD2] =	sst s25  }
0xa6: {  	s5 =	sshll.u32 s26, $0x1;
	_ =	strace $0x80000046;
	[dreg:$0x1] =	wrdreg $0xFFFFFFFF  }
0xa7: {  	s28 =	simm.s32 $_size_execute0_lowered;
	s3 =	sadd.s32 s3, s5;
	[dreg:$0x0] =	wrdreg $0x0  }
0xa8: {  	s5 =	sshll.u32 s28, $0x1;
	[dreg:$0x2] =	wrdreg s3  }
0xa9: {  	[dreg:$0x3] =	wrdreg s5  }
0xaa: {  	[dreg:$0x4] =	wrdreg $0xC0  }
0xab: {  	_ =	task [dreg:s7], $0x5FFFF  }
0xac: {  	[dreg:$0x1] =	wrdreg $0xFFFFFFFF  }
0xad: {  	[dreg:$0x0] =	wrdreg $0x60  }
0xae: {  	[dreg:$0x2] =	wrdreg s2  }
0xaf: {  	[dreg:$0x3] =	wrdreg s24  }
0xb0: {  	[dreg:$0x4] =	wrdreg $0x9  }
0xb1: {  	_ =	task.clear_ibuf [dreg:s7], $0x5FFFF;
	_ =	strace $0x90000046  }
0xb2: {  	s29 =	simm.s32 $0x9;
	_ =	strace $0x80000048  }
0xb3: {  	_ =	swait.ge [sflag:s29], $0x1  }
0xb4: {  	[sflag:s29] =	ssyncadd.s32 $0xFFFFFFFF  }
0xb5: {  	_ =	strace $0x90000048  }
0xb6: {  	_ =	sfence  }
0xb7: {  	s30 =	sld [smem:$0x0];
	_ =	sdelay $0x2  }
0xb8: {  	s31 =	sshll.u32 s1, $0xD;
	s1 =	sshrl.u32 s1, $0x2  }
0xb9: {  	s3 =	sand.u32 $0x4000, s31;
	s1 =	sadd.s32 s1, s30  }
0xba: {  	s0 =	sor.u32 s3, s0;
	s1 =	sshll.u32 s1, $0x11  }
0xbb: {  	s0 =	sor.u32 s1, s0  }
0xbc: {  	s0 =	sadd.s32 $0x8F2B, s0  }
0xbd: {  	[sflag:s0] =	ssyncadd.remote.s32 $0x1  }
0xbe: {  	_ =	sfence.sel $0xFFFF  }
0xbf: {  	[dreg:$0x0] =	wrdreg $0xFFFFFFFF;
	(pc) =	sbr.abs _section_cstart, $3  }
0xc0: {  	[dreg:$0x1] =	wrdreg $0xFFFFFFFF  }
0xc1: {  	_ =	task.clear_ibuf [dreg:s7], $0x2FFFF;
	_ =	strace $0x9FFFFFFF  }
0xc2: {  	(tm) =	ssettm $0x7FFFFFFF  }
0xc3: {  	_ =	shalt  }
tec
execute0_lowered:
.L_overlay_start_1:
0x0: {  	(tag) =	ssettag $0x1  }
0x1: {  	s2 =	rddreg [dreg:$0x0];
	s1 =	srdreg.scid  }
0x2: {  	s0 =	stileid.u32;
	s4 =	rddreg [dreg:$0x1];
	s3 =	simm.s32 $0x0  }
0x3: {  	s10 =	simm.s32 $0x400;
	s11 =	simm.s32 $0x7A1400;
	s12 =	simm.s32 $0x1000  }
0x4: {  	s13 =	simm.s32 $0x1;
	s14 =	simm.s32 $0x2000;
	s15 =	simm.s32 $0x2  }
0x5: {  	s16 =	simm.s32 $0x3000;
	s5 =	sand.u32 $0x1, s1;
	s6 =	sshll.u32 s0, $0x1  }
0x6: {  	s17 =	simm.s32 $0x3;
	s18 =	simm.s32 $0x4;
	s6 =	sor.u32 s5, s6  }
0x7: {  	s19 =	simm.s32 $0x0;
	[smem:$0x7FF] =	sst s3;
	s7 =	smul.u32 $0xF4, s6  }
.Ltmp0:
0x8: {  	s4 =	sadd.s32 $0xE00, s4;
	s31 =	smin.u32 s6, $0x4;
	(pc) =	sbr.rel .LBB2_1-.Ltmp0, $4  }
0x9: {  	v0 =	vlaneseq.u32;
	p0 =	slt.u32 s0, $0x2;
	s8 =	ssub.s32 $0x2, s5;
	s5 =	sadd.s32 s31, s7  }
0xa: {  	v0 =	vmul.u32 $0x80, v0;
	_ =	strace $0x80000047;
	s9 =	sshrl.u32 s8, $0x1;
	s7 =	sshll.u32 s5, $0x7  }
0xb: {  	s6 =	simm.s32 $0xF5;
	s9 =	ssub.s32 s8, s9;
	s7 =	sadd.s32 s2, s7  }
0xc: {  	v1 =	vor.u32 $0x800, v0;
	s6 =	simm.s32 @!p0 $0xF4;
	s9 =	smax.u32 s9, $0x1;
	s8 =	sadd.s32 $0x80, s7  }
.LBB2_11:
0xd: {  	s19 =	sadd.s32 $0x1, s19  }
0xe: {  	_ =	swait.ge [sflag:s17], $0x1000;
	p0 =	sne.s32 s19, s9  }
.Ltmp1:
0xf: {  	[sflag:s17] =	ssyncset.done $0x0;
	(pc) =	sbr.rel @!p0 .LBB2_12-.Ltmp1, $4  }
0x10: {  	[sflag:s17] =	ssyncadd.s32 $0xFFFFF000  }
0x11: {  	_ =	swait.ge [sflag:s18], $0x1000  }
0x12: {  	[sflag:s18] =	ssyncset.done $0x0  }
0x13: {  	[sflag:s18] =	ssyncadd.s32 $0xFFFFF000  }
.LBB2_1:
.Ltmp2:
0x14: {  	(pc) =	sbr.rel .LBB2_2-.Ltmp2, $4  }
0x15: {  	_ = 	snop  }
0x16: {  	[tilespmem:s3], [sflag:$0x1] =	stream.strided.gather [hbm4b:s7+s10], $0x1000, s11, s10, $0x38;
	[tilespmem:$0x4000] =	vst v63  }
0x17: {  	s20 =	simm.s32 $0x0  }
0x18: {  	[tilespmem:s12], [sflag:$0x2] =	stream.strided.gather [hbm4b:s8+s10], $0x1000, s11, s10, $0x38;
	[tilespmem:$0x4000] =	vst v63  }
.LBB2_10:
0x19: {  	s20 =	sadd.s32 $0x1, s20  }
0x1a: {  	p0 =	sne.s32 s20, $0x7B  }
.Ltmp3:
0x1b: {  	_ = 	snop;
	(pc) =	sbr.rel @!p0 .LBB2_11-.Ltmp3, $1  }
0x1c: {  	_ =	sdelay $0x3  }
.LBB2_2:
0x1d: {  	s21 =	sshll.u32 s20, $0x1  }
0x1e: {  	p0 =	sge.u32 s21, s6  }
.Ltmp4:
0x1f: {  	_ = 	snop;
	(pc) =	sbr.rel @p0 .LBB2_6-.Ltmp4, $1  }
0x20: {  	_ =	sdelay $0x3  }
0x21: {  	_ =	swait.ge [sflag:s13], $0x1000;
	s28 =	simm.s32 $0x0  }
0x22: {  	p0 =	seq.s32 s20, $0x0;
	s22 =	simm.s32 $0x7;
	[sflag:s13] =	ssyncset.done $0x0;
	v2 =	vor.u32 s28, v0  }
0x23: {  	s24 =	simm.s32 $0x1;
	s23 =	simm.s32 @!p0 $0x3;
	v3 =	vor.u32 s22, v0;
	[sflag:s13] =	ssyncadd.s32 $0xFFFFF000  }
0x24: {  	s25 =	simm.s32 $0x2;
	v4 =	vor.u32 s24, v0;
	_ =	swait.ge @!p0 [sflag:s23], $0x1000  }
0x25: {  	s26 =	simm.s32 $0x3;
	v5 =	vor.u32 s25, v0;
	[sflag:s23] =	ssyncset.done @!p0 $0x0  }
0x26: {  	s31 =	simm.s32 $0x4;
	v6 =	vor.u32 s26, v0;
	[sflag:s23] =	ssyncadd.s32 @!p0 $0xFFFFF000  }
0x27: {  	s29 =	simm.s32 $0x5;
	v7 =	vor.u32 s31, v0;
	v2 =	vld.idx.msk [tilespmem:v2+s3+$0x0], $0xffff  }
0x28: {  	s30 =	simm.s32 $0x6;
	v8 =	vor.u32 s29, v0;
	v3 =	vld.idx.msk [tilespmem:v3+s3+$0x0], $0xffff  }
0x29: {  	v10 =	vor.u32 s30, v0;
	v4 =	vld.idx.msk [tilespmem:v4+s3+$0x0], $0xffff  }
0x2a: {  	v13 =	vor.u32 s24, v1;
	v5 =	vld.idx.msk [tilespmem:v5+s3+$0x0], $0xffff  }
0x2b: {  	v11 =	vor.u32 s22, v1;
	v6 =	vld.idx.msk [tilespmem:v6+s3+$0x0], $0xffff  }
0x2c: {  	v14 =	vor.u32 s25, v1;
	v15 =	vld.idx.msk [tilespmem:v7+s3+$0x0], $0xffff  }
0x2d: {  	s24 =	simm.s32 $0x2080;
	v16 =	vor.u32 s26, v1;
	v9 =	vld.idx.msk [tilespmem:v8+s3+$0x0], $0xffff  }
0x2e: {  	v12 =	vor.u32 s31, v1;
	v8 =	vld.idx.msk [tilespmem:v10+s3+$0x0], $0xffff;
	[tilespmem:s24+$0xFFFFFFA0] =	vst v4  }
0x2f: {  	[tilespmem:s24+$0x60] =	vst v3;
	v4 =	vld.idx.msk [tilespmem:v13+s3+$0x0], $0xffff;
	v13 =	vor.u32 s29, v1  }
0x30: {  	s23 =	simm.s32 $0x8;
	[tilespmem:s24+$0xFFFFFFC0] =	vst v5;
	v7 =	vld.idx.msk [tilespmem:v11+s3+$0x0], $0xffff;
	v11 =	vor.u32 s30, v1  }
0x31: {  	[tilespmem:s24+$0xFFFFFFE0] =	vst v6;
	v3 =	vor.u32 s23, v0;
	v5 =	vld.idx.msk [tilespmem:v14+s3+$0x0], $0xffff  }
0x32: {  	s22 =	sadd.s32 s5, s21;
	s26 =	simm.s32 $0xF;
	s25 =	simm.s32 $0x10;
	v10 =	vor.u32 s28, v1;
	[tilespmem:s24+$0x0] =	vst v15;
	v6 =	vld.idx.msk [tilespmem:v16+s3+$0x0], $0xffff  }
.LBB2_4:
0x33: {  	p0 =	slt.u32 s25, $0x78;
	s28 =	sadd.s32 $0x1, s23;
	v14 =	vor.u32 s26, v0;
	v12 =	vld.idx.msk [tilespmem:v12+s3+$0x0], $0xffff;
	[tilespmem:s24+$0x20] =	vst v9  }
0x34: {  	s29 =	sadd.s32 $0x2, s23;
	v9 =	vor.u32 s28, v0;
	v13 =	vld.idx.msk [tilespmem:v13+s3+$0x0], $0xffff;
	[tilespmem:s24+$0x40] =	vst v8  }
0x35: {  	s30 =	sadd.s32 $0x3, s23;
	v8 =	vor.u32 s29, v0;
	v11 =	vld.idx.msk [tilespmem:v11+s3+$0x0], $0xffff;
	[tilespmem:s24+$0x70] =	vst v7  }
0x36: {  	s31 =	sadd.s32 $0x4, s23;
	v7 =	vor.u32 s30, v0;
	[tilespmem:s24+$0xFFFFFF80] =	vst v2;
	v2 =	vld.idx.msk [tilespmem:v3+s3+$0x0], $0xffff  }
0x37: {  	s1 =	sadd.s32 $0x5, s23;
	v3 =	vor.u32 s31, v0;
	v10 =	vld.idx.msk [tilespmem:v10+s3+$0x0], $0xffff;
	[tilespmem:s24+$0xFFFFFFB0] =	vst v4  }
0x38: {  	s0 =	sadd.s32 $0x6, s23;
	v4 =	vor.u32 s1, v0;
	v14 =	vld.idx.msk [tilespmem:v14+s3+$0x0], $0xffff;
	[tilespmem:s24+$0xFFFFFFD0] =	vst v5  }
0x39: {  	v15 =	vor.u32 s0, v0;
	v5 =	vld.idx.msk [tilespmem:v9+s3+$0x0], $0xffff;
	[tilespmem:s24+$0xFFFFFFF0] =	vst v6  }
0x3a: {  	v16 =	vor.u32 s26, v1;
	v6 =	vld.idx.msk [tilespmem:v8+s3+$0x0], $0xffff;
	[tilespmem:s24+$0x10] =	vst v12  }
0x3b: {  	v17 =	vor.u32 s28, v1;
	v18 =	vld.idx.msk [tilespmem:v7+s3+$0x0], $0xffff;
	[tilespmem:s24+$0x30] =	vst v13  }
0x3c: {  	v19 =	vor.u32 s29, v1;
	v20 =	vld.idx.msk [tilespmem:v3+s3+$0x0], $0xffff;
	[tilespmem:s24+$0x50] =	vst v11  }
0x3d: {  	v21 =	vor.u32 s30, v1;
	v9 =	vld.idx.msk [tilespmem:v4+s3+$0x0], $0xffff;
	[tilespmem:s24+$0xFFFFFF90] =	vst v10;
	s24 =	sadd.s32 $0x100, s24  }
.Ltmp5:
0x3e: {  	v12 =	vor.u32 s31, v1;
	v8 =	vld.idx.msk [tilespmem:v15+s3+$0x0], $0xffff;
	[tilespmem:s24+$0x60] =	vst v14;
	(pc) =	sbr.rel @p0 .LBB2_4-.Ltmp5, $4  }
0x3f: {  	v13 =	vor.u32 s1, v1;
	[tilespmem:s24+$0xFFFFFFA0] =	vst v5;
	v7 =	vld.idx.msk [tilespmem:v16+s3+$0x0], $0xffff  }
0x40: {  	v11 =	vor.u32 s0, v1;
	v4 =	vld.idx.msk [tilespmem:v17+s3+$0x0], $0xffff;
	[tilespmem:s24+$0xFFFFFFC0] =	vst v6  }
0x41: {  	v3 =	vor.u32 s25, v0;
	v5 =	vld.idx.msk [tilespmem:v19+s3+$0x0], $0xffff;
	[tilespmem:s24+$0xFFFFFFE0] =	vst v18  }
0x42: {  	s26 =	sadd.s32 $0x7, s25;
	v10 =	vor.u32 s23, v1;
	s23 =	smov.u32 s25;
	s25 =	sadd.s32 $0x8, s25;
	v6 =	vld.idx.msk [tilespmem:v21+s3+$0x0], $0xffff;
	[tilespmem:s24+$0x0] =	vst v20  }
0x43: {  	_ =	sdelay $0x1  }
0x44: {  	[tilespmem:s24+$0x20] =	vst v9  }
0x45: {  	[tilespmem:s24+$0x40] =	vst v8  }
0x46: {  	s0 =	sadd.s32 $0x1, s23;
	v41 =	vor.u32 s26, v0;
	v42 =	vld.idx.msk [tilespmem:v12+s3+$0x0], $0xffff;
	[tilespmem:s24+$0xFFFFFF80] =	vst v2  }
0x47: {  	s1 =	sadd.s32 $0x2, s23;
	v3 =	vld.idx.msk [tilespmem:v3+s3+$0x0], $0xffff;
	v43 =	vor.u32 s0, v0;
	[tilespmem:s24+$0x70] =	vst v7  }
0x48: {  	s25 =	sadd.s32 $0x3, s23;
	v44 =	vld.idx.msk [tilespmem:v13+s3+$0x0], $0xffff;
	v45 =	vor.u32 s1, v0;
	[tilespmem:s24+$0xFFFFFFB0] =	vst v4  }
0x49: {  	s28 =	sadd.s32 $0x4, s23;
	v2 =	vld.idx.msk [tilespmem:v11+s3+$0x0], $0xffff;
	v46 =	vor.u32 s25, v0;
	[tilespmem:s24+$0xFFFFFFD0] =	vst v5  }
0x4a: {  	s29 =	sadd.s32 $0x5, s23;
	v47 =	vor.u32 s28, v0;
	v10 =	vld.idx.msk [tilespmem:v10+s3+$0x0], $0xffff;
	[tilespmem:s24+$0xFFFFFFF0] =	vst v6  }
0x4b: {  	s30 =	sadd.s32 $0x6, s23;
	v52 =	vor.u32 s26, v1;
	s26 =	sadd.s32 $0x100, s24;
	v48 =	vor.u32 s29, v0;
	v9 =	vld.idx.msk [tilespmem:v41+s3+$0x0], $0xffff;
	[tilespmem:s24+$0x10] =	vst v42  }
0x4c: {  	v50 =	vor.u32 s30, v0;
	[tilespmem:s26+$0xFFFFFF80] =	vst v3;
	v49 =	vld.idx.msk [tilespmem:v43+s3+$0x0], $0xffff  }
0x4d: {  	v51 =	vld.idx.msk [tilespmem:v45+s3+$0x0], $0xffff;
	[tilespmem:s24+$0x30] =	vst v44  }
0x4e: {  	v53 =	vld.idx.msk [tilespmem:v46+s3+$0x0], $0xffff;
	[tilespmem:s24+$0x50] =	vst v2;
	v2 =	vor.u32 s0, v1  }
0x4f: {  	v54 =	vor.u32 s1, v1;
	v4 =	vld.idx.msk [tilespmem:v47+s3+$0x0], $0xffff;
	[tilespmem:s24+$0xFFFFFF90] =	vst v10  }
0x50: {  	v55 =	vor.u32 s25, v1;
	v5 =	vld.idx.msk [tilespmem:v48+s3+$0x0], $0xffff;
	[tilespmem:s26+$0x60] =	vst v9  }
0x51: {  	v57 =	vor.u32 s28, v1;
	v56 =	vld.idx.msk [tilespmem:v50+s3+$0x0], $0xffff;
	[tilespmem:s26+$0xFFFFFFA0] =	vst v49  }
0x52: {  	v59 =	vor.u32 s29, v1;
	v58 =	vld.idx.msk [tilespmem:v52+s3+$0x0], $0xffff;
	[tilespmem:s26+$0xFFFFFFC0] =	vst v51  }
0x53: {  	v60 =	vor.u32 s30, v1;
	[tilespmem:s26+$0xFFFFFFE0] =	vst v53;
	v2 =	vld.idx.msk [tilespmem:v2+s3+$0x0], $0xffff  }
0x54: {  	v62 =	vor.u32 s23, v1;
	[tilespmem:s26+$0x0] =	vst v4;
	v61 =	vld.idx.msk [tilespmem:v54+s3+$0x0], $0xffff  }
0x55: {  	[tilespmem:s26+$0x20] =	vst v5;
	v63 =	vld.idx.msk [tilespmem:v55+s3+$0x0], $0xffff  }
0x56: {  	[tilespmem:s26+$0x40] =	vst v56;
	v6 =	vld.idx.msk [tilespmem:v57+s3+$0x0], $0xffff  }
0x57: {  	v8 =	vld.idx.msk [tilespmem:v59+s3+$0x0], $0xffff;
	[tilespmem:s26+$0x70] =	vst v58  }
0x58: {  	v3 =	vld.idx.msk [tilespmem:v60+s3+$0x0], $0xffff;
	[tilespmem:s26+$0xFFFFFFB0] =	vst v2  }
0x59: {  	v2 =	vld.idx.msk [tilespmem:v62+s3+$0x0], $0xffff;
	[tilespmem:s26+$0xFFFFFFD0] =	vst v61  }
0x5a: {  	s0 =	sadd.s32 $0x2, s21;
	[tilespmem:s26+$0xFFFFFFF0] =	vst v63  }
0x5b: {  	p0 =	sge.u32 s0, s6;
	[tilespmem:s26+$0x10] =	vst v6  }
0x5c: {  	s30 =	sshll.u32 s22, $0x9;
	s0 =	sadd.s32 @!p0 s5, s0;
	[tilespmem:s26+$0x30] =	vst v8  }
0x5d: {  	s1 =	sand.u32 $0x1FFFFE00, s30;
	s0 =	sshll.u32 @!p0 s0, $0x7;
	[tilespmem:s26+$0x50] =	vst v3  }
0x5e: {  	s31 =	sadd.s32 s4, s1;
	s1 =	simm.s32 @!p0 $0x400;
	s0 =	sand.u32 @!p0 $0x1FFFFF80, s0;
	[tilespmem:s26+$0xFFFFFF90] =	vst v2  }
0x5f: {  	[hbm4b:s31+s3] =	stream.linear.scatter [tilespmem:s14], [sflag:$0x3], $0x1000, $0x38;
	[tilespmem:$0x4000] =	vst v63  }
0x60: {  	s22 =	simm.s32 @!p0 $0x7A1400;
	s23 =	simm.s32 @!p0 $0x0;
	s0 =	sadd.s32 @!p0 s2, s0  }
0x61: {  	[tilespmem:s23], [sflag:$0x1] =	stream.strided.gather @!p0 [hbm4b:s0+s1], $0x1000, s22, s1, $0x38;
	[tilespmem:$0x4000] =	vst v63  }
.LBB2_6:
0x62: {  	s22 =	sor.u32 $0x1, s21  }
0x63: {  	p0 =	sge.u32 s22, s6  }
.Ltmp6:
0x64: {  	_ = 	snop;
	(pc) =	sbr.rel @p0 .LBB2_10-.Ltmp6, $1  }
0x65: {  	_ =	sdelay $0x3  }
0x66: {  	_ =	swait.ge [sflag:s15], $0x1000;
	s0 =	simm.s32 $0x0  }
0x67: {  	p0 =	seq.s32 s20, $0x0;
	s1 =	simm.s32 $0x7;
	[sflag:s15] =	ssyncset.done $0x0;
	v2 =	vor.u32 s0, v0  }
0x68: {  	s24 =	simm.s32 $0x1;
	s23 =	simm.s32 @!p0 $0x4;
	v3 =	vor.u32 s1, v0;
	[sflag:s15] =	ssyncadd.s32 $0xFFFFF000  }
0x69: {  	s25 =	simm.s32 $0x2;
	v4 =	vor.u32 s24, v0;
	_ =	swait.ge @!p0 [sflag:s23], $0x1000  }
0x6a: {  	s26 =	simm.s32 $0x3;
	v5 =	vor.u32 s25, v0;
	[sflag:s23] =	ssyncset.done @!p0 $0x0  }
0x6b: {  	s31 =	simm.s32 $0x4;
	v6 =	vor.u32 s26, v0;
	[sflag:s23] =	ssyncadd.s32 @!p0 $0xFFFFF000  }
0x6c: {  	s28 =	simm.s32 $0x5;
	v7 =	vor.u32 s31, v0;
	v2 =	vld.idx.msk [tilespmem:v2+s12+$0x0], $0xffff  }
0x6d: {  	s29 =	simm.s32 $0x6;
	v8 =	vor.u32 s28, v0;
	v3 =	vld.idx.msk [tilespmem:v3+s12+$0x0], $0xffff  }
0x6e: {  	v10 =	vor.u32 s29, v0;
	v4 =	vld.idx.msk [tilespmem:v4+s12+$0x0], $0xffff  }
0x6f: {  	v13 =	vor.u32 s24, v1;
	v5 =	vld.idx.msk [tilespmem:v5+s12+$0x0], $0xffff  }
0x70: {  	v11 =	vor.u32 s1, v1;
	v6 =	vld.idx.msk [tilespmem:v6+s12+$0x0], $0xffff  }
0x71: {  	v14 =	vor.u32 s25, v1;
	v15 =	vld.idx.msk [tilespmem:v7+s12+$0x0], $0xffff  }
0x72: {  	s24 =	simm.s32 $0x30F0;
	v16 =	vor.u32 s26, v1;
	v9 =	vld.idx.msk [tilespmem:v8+s12+$0x0], $0xffff  }
0x73: {  	v12 =	vor.u32 s31, v1;
	v8 =	vld.idx.msk [tilespmem:v10+s12+$0x0], $0xffff;
	[tilespmem:s24+$0xFFFFFF30] =	vst v4  }
0x74: {  	[tilespmem:s24+$0xFFFFFFF0] =	vst v3;
	v4 =	vld.idx.msk [tilespmem:v13+s12+$0x0], $0xffff;
	v13 =	vor.u32 s28, v1  }
0x75: {  	s23 =	simm.s32 $0x8;
	[tilespmem:s24+$0xFFFFFF50] =	vst v5;
	v7 =	vld.idx.msk [tilespmem:v11+s12+$0x0], $0xffff;
	v11 =	vor.u32 s29, v1  }
0x76: {  	[tilespmem:s24+$0xFFFFFF70] =	vst v6;
	v3 =	vor.u32 s23, v0;
	v5 =	vld.idx.msk [tilespmem:v14+s12+$0x0], $0xffff  }
0x77: {  	s22 =	sadd.s32 s5, s22;
	s26 =	simm.s32 $0xF;
	s25 =	simm.s32 $0x10;
	v10 =	vor.u32 s0, v1;
	[tilespmem:s24+$0xFFFFFF90] =	vst v15;
	v6 =	vld.idx.msk [tilespmem:v16+s12+$0x0], $0xffff  }
.LBB2_8:
0x78: {  	p0 =	slt.u32 s25, $0x78;
	s0 =	sadd.s32 $0x1, s23;
	v14 =	vor.u32 s26, v0;
	v12 =	vld.idx.msk [tilespmem:v12+s12+$0x0], $0xffff;
	[tilespmem:s24+$0xFFFFFFB0] =	vst v9  }
0x79: {  	s1 =	sadd.s32 $0x2, s23;
	v9 =	vor.u32 s0, v0;
	v13 =	vld.idx.msk [tilespmem:v13+s12+$0x0], $0xffff;
	[tilespmem:s24+$0xFFFFFFD0] =	vst v8  }
0x7a: {  	s28 =	sadd.s32 $0x3, s23;
	v8 =	vor.u32 s1, v0;
	v11 =	vld.idx.msk [tilespmem:v11+s12+$0x0], $0xffff;
	[tilespmem:s24+$0x0] =	vst v7  }
0x7b: {  	s29 =	sadd.s32 $0x4, s23;
	v7 =	vor.u32 s28, v0;
	[tilespmem:s24+$0xFFFFFF10] =	vst v2;
	v2 =	vld.idx.msk [tilespmem:v3+s12+$0x0], $0xffff  }
0x7c: {  	s30 =	sadd.s32 $0x5, s23;
	v3 =	vor.u32 s29, v0;
	v10 =	vld.idx.msk [tilespmem:v10+s12+$0x0], $0xffff;
	[tilespmem:s24+$0xFFFFFF40] =	vst v4  }
0x7d: {  	s31 =	sadd.s32 $0x6, s23;
	v4 =	vor.u32 s30, v0;
	v14 =	vld.idx.msk [tilespmem:v14+s12+$0x0], $0xffff;
	[tilespmem:s24+$0xFFFFFF60] =	vst v5  }
0x7e: {  	v15 =	vor.u32 s31, v0;
	v5 =	vld.idx.msk [tilespmem:v9+s12+$0x0], $0xffff;
	[tilespmem:s24+$0xFFFFFF80] =	vst v6  }
0x7f: {  	v16 =	vor.u32 s26, v1;
	v6 =	vld.idx.msk [tilespmem:v8+s12+$0x0], $0xffff;
	[tilespmem:s24+$0xFFFFFFA0] =	vst v12  }
0x80: {  	v17 =	vor.u32 s0, v1;
	v18 =	vld.idx.msk [tilespmem:v7+s12+$0x0], $0xffff;
	[tilespmem:s24+$0xFFFFFFC0] =	vst v13  }
0x81: {  	v19 =	vor.u32 s1, v1;
	v20 =	vld.idx.msk [tilespmem:v3+s12+$0x0], $0xffff;
	[tilespmem:s24+$0xFFFFFFE0] =	vst v11  }
0x82: {  	v21 =	vor.u32 s28, v1;
	v9 =	vld.idx.msk [tilespmem:v4+s12+$0x0], $0xffff;
	[tilespmem:s24+$0xFFFFFF20] =	vst v10;
	s24 =	sadd.s32 $0x100, s24  }
.Ltmp7:
0x83: {  	v12 =	vor.u32 s29, v1;
	v8 =	vld.idx.msk [tilespmem:v15+s12+$0x0], $0xffff;
	[tilespmem:s24+$0xFFFFFFF0] =	vst v14;
	(pc) =	sbr.rel @p0 .LBB2_8-.Ltmp7, $4  }
0x84: {  	v13 =	vor.u32 s30, v1;
	[tilespmem:s24+$0xFFFFFF30] =	vst v5;
	v7 =	vld.idx.msk [tilespmem:v16+s12+$0x0], $0xffff  }
0x85: {  	v11 =	vor.u32 s31, v1;
	v4 =	vld.idx.msk [tilespmem:v17+s12+$0x0], $0xffff;
	[tilespmem:s24+$0xFFFFFF50] =	vst v6  }
0x86: {  	v3 =	vor.u32 s25, v0;
	v5 =	vld.idx.msk [tilespmem:v19+s12+$0x0], $0xffff;
	[tilespmem:s24+$0xFFFFFF70] =	vst v18  }
0x87: {  	s26 =	sadd.s32 $0x7, s25;
	v10 =	vor.u32 s23, v1;
	s23 =	smov.u32 s25;
	s25 =	sadd.s32 $0x8, s25;
	v6 =	vld.idx.msk [tilespmem:v21+s12+$0x0], $0xffff;
	[tilespmem:s24+$0xFFFFFF90] =	vst v20  }
0x88: {  	_ =	sdelay $0x1  }
0x89: {  	[tilespmem:s24+$0xFFFFFFB0] =	vst v9  }
0x8a: {  	[tilespmem:s24+$0xFFFFFFD0] =	vst v8  }
0x8b: {  	s0 =	sadd.s32 $0x1, s23;
	v41 =	vor.u32 s26, v0;
	v42 =	vld.idx.msk [tilespmem:v12+s12+$0x0], $0xffff;
	[tilespmem:s24+$0xFFFFFF10] =	vst v2  }
0x8c: {  	s1 =	sadd.s32 $0x2, s23;
	v3 =	vld.idx.msk [tilespmem:v3+s12+$0x0], $0xffff;
	v43 =	vor.u32 s0, v0;
	[tilespmem:s24+$0x0] =	vst v7  }
0x8d: {  	s25 =	sadd.s32 $0x3, s23;
	v44 =	vld.idx.msk [tilespmem:v13+s12+$0x0], $0xffff;
	v45 =	vor.u32 s1, v0;
	[tilespmem:s24+$0xFFFFFF40] =	vst v4  }
0x8e: {  	s28 =	sadd.s32 $0x4, s23;
	v2 =	vld.idx.msk [tilespmem:v11+s12+$0x0], $0xffff;
	v46 =	vor.u32 s25, v0;
	[tilespmem:s24+$0xFFFFFF60] =	vst v5  }
0x8f: {  	s29 =	sadd.s32 $0x5, s23;
	v47 =	vor.u32 s28, v0;
	v10 =	vld.idx.msk [tilespmem:v10+s12+$0x0], $0xffff;
	[tilespmem:s24+$0xFFFFFF80] =	vst v6  }
0x90: {  	s30 =	sadd.s32 $0x6, s23;
	v52 =	vor.u32 s26, v1;
	s26 =	sadd.s32 $0x100, s24;
	v48 =	vor.u32 s29, v0;
	v9 =	vld.idx.msk [tilespmem:v41+s12+$0x0], $0xffff;
	[tilespmem:s24+$0xFFFFFFA0] =	vst v42  }
0x91: {  	v50 =	vor.u32 s30, v0;
	[tilespmem:s26+$0xFFFFFF10] =	vst v3;
	v49 =	vld.idx.msk [tilespmem:v43+s12+$0x0], $0xffff  }
0x92: {  	v51 =	vld.idx.msk [tilespmem:v45+s12+$0x0], $0xffff;
	[tilespmem:s24+$0xFFFFFFC0] =	vst v44  }
0x93: {  	v53 =	vld.idx.msk [tilespmem:v46+s12+$0x0], $0xffff;
	[tilespmem:s24+$0xFFFFFFE0] =	vst v2;
	v2 =	vor.u32 s0, v1  }
0x94: {  	v54 =	vor.u32 s1, v1;
	v4 =	vld.idx.msk [tilespmem:v47+s12+$0x0], $0xffff;
	[tilespmem:s24+$0xFFFFFF20] =	vst v10  }
0x95: {  	v55 =	vor.u32 s25, v1;
	v5 =	vld.idx.msk [tilespmem:v48+s12+$0x0], $0xffff;
	[tilespmem:s26+$0xFFFFFFF0] =	vst v9  }
0x96: {  	v57 =	vor.u32 s28, v1;
	v56 =	vld.idx.msk [tilespmem:v50+s12+$0x0], $0xffff;
	[tilespmem:s26+$0xFFFFFF30] =	vst v49  }
0x97: {  	v59 =	vor.u32 s29, v1;
	v58 =	vld.idx.msk [tilespmem:v52+s12+$0x0], $0xffff;
	[tilespmem:s26+$0xFFFFFF50] =	vst v51  }
0x98: {  	v60 =	vor.u32 s30, v1;
	[tilespmem:s26+$0xFFFFFF70] =	vst v53;
	v2 =	vld.idx.msk [tilespmem:v2+s12+$0x0], $0xffff  }
0x99: {  	v62 =	vor.u32 s23, v1;
	[tilespmem:s26+$0xFFFFFF90] =	vst v4;
	v61 =	vld.idx.msk [tilespmem:v54+s12+$0x0], $0xffff  }
0x9a: {  	[tilespmem:s26+$0xFFFFFFB0] =	vst v5;
	v63 =	vld.idx.msk [tilespmem:v55+s12+$0x0], $0xffff  }
0x9b: {  	[tilespmem:s26+$0xFFFFFFD0] =	vst v56;
	v6 =	vld.idx.msk [tilespmem:v57+s12+$0x0], $0xffff  }
0x9c: {  	v8 =	vld.idx.msk [tilespmem:v59+s12+$0x0], $0xffff;
	[tilespmem:s26+$0x0] =	vst v58  }
0x9d: {  	v3 =	vld.idx.msk [tilespmem:v60+s12+$0x0], $0xffff;
	[tilespmem:s26+$0xFFFFFF40] =	vst v2  }
0x9e: {  	v2 =	vld.idx.msk [tilespmem:v62+s12+$0x0], $0xffff;
	[tilespmem:s26+$0xFFFFFF60] =	vst v61  }
0x9f: {  	s0 =	sadd.s32 $0x3, s21;
	[tilespmem:s26+$0xFFFFFF80] =	vst v63  }
0xa0: {  	p0 =	sge.u32 s0, s6;
	[tilespmem:s26+$0xFFFFFFA0] =	vst v6  }
0xa1: {  	s30 =	sshll.u32 s22, $0x9;
	s0 =	sadd.s32 @!p0 s5, s0;
	[tilespmem:s26+$0xFFFFFFC0] =	vst v8  }
.Ltmp8:
0xa2: {  	s1 =	sand.u32 $0x1FFFFE00, s30;
	s0 =	sshll.u32 @!p0 s0, $0x7;
	[tilespmem:s26+$0xFFFFFFE0] =	vst v3;
	(pc) =	sbr.rel .LBB2_10-.Ltmp8, $4  }
0xa3: {  	s31 =	sadd.s32 s4, s1;
	s1 =	simm.s32 @!p0 $0x400;
	s0 =	sand.u32 @!p0 $0x1FFFFF80, s0;
	[tilespmem:s26+$0xFFFFFF20] =	vst v2  }
0xa4: {  	[hbm4b:s31+s3] =	stream.linear.scatter [tilespmem:s16], [sflag:$0x4], $0x1000, $0x38;
	[tilespmem:$0x4000] =	vst v63  }
0xa5: {  	s21 =	simm.s32 @!p0 $0x7A1400;
	s22 =	simm.s32 @!p0 $0x1000;
	s0 =	sadd.s32 @!p0 s2, s0  }
0xa6: {  	[tilespmem:s22], [sflag:$0x2] =	stream.strided.gather @!p0 [hbm4b:s0+s1], $0x1000, s21, s1, $0x38;
	[tilespmem:$0x4000] =	vst v63  }
.LBB2_12:
0xa7: {  	_ =	sfence.sel $0x180000  }
0xa8: {  	[bflag:$0x0] =	sbarrier.arrive $0xFFFF  }
0xa9: {  	_ =	strace $0x90000047  }
0xaa: {  	s0 =	stileid.u32;
	[bflag:$0x2] =	sbarrier.arrive $0xFFFF  }
0xab: {  	p0 =	sne.s32 s0, $0x0;
	s0 =	rddreg [dreg:$0x2]  }
0xac: {  	s0 =	sadd.s32 @!p0 $0x100000, s0  }
0xad: {  	[sflag:s0] =	ssyncadd.tile.s32 @!p0 $0x1;
	_ =	shalt  }
.Lfunc_end2:
_tile_overlayer_lowered:
.L_overlay_start_2:
0xae: {  	(tag) =	ssettag $0x2  }
0xaf: {  	s0 =	rddreg [dreg:$0x0];
	s2 =	stileid.u32  }
0xb0: {  	s1 =	rddreg [dreg:$0x1];
	p0 =	sne.s32 s2, $0x0  }
0xb1: {  	s3 =	rddreg [dreg:$0x2];
	[bflag:$0x3] =	sbarrier.arrive $0xFFFF;
	s2 =	simm.s32 @!p0 $0x1C05  }
0xb2: {  	[timem:s3], [sflag:s2] =	dma.local @!p0 [hbm:s0], s1  }
0xb3: {  	s0 =	simm.s32 @!p0 $0x5  }
0xb4: {  	_ =	swait.ge @!p0 [sflag:s0], s1  }
0xb5: {  	s1 =	ssub.s32 @!p0 $0x0, s1;
	[sflag:s0] =	ssyncset.done @!p0 $0x0  }
0xb6: {  	[sflag:s0] =	ssyncadd.s32 @!p0 s1  }
0xb7: {  	[bflag:$0x3] =	sbarrier.arrive $0xFFFF  }
0xb8: {  	_ =	shalt  }

// kernel: kernel.7.cloned.1.call-start
scs
__scs_entry_jumppad:
0x0: {  	(pc) =	sbr.rel $0x88, $3  }
0x1: {  	(tag) =	ssettag $0x0;
	lr =	simm.s32 $0x1  }
0x2: {  	[smem:$0x3F9F] =	sst lr;
	_ =	strace $0xD0000000  }
0x3: {  	_ = 	snop  }
0x4: {  	_ = 	snop  }
0x5: {  	_ = 	snop  }
0x6: {  	_ = 	snop  }
0x7: {  	_ = 	snop  }
__scs_overlays_trampoline_lowered:
0x8: {  	[smem:$0x3FAE] =	sst s0  }
0x9: {  	[smem:$0x3FAF] =	sst s1  }
0xa: {  	[smem:$0x3FB0] =	sst s2  }
0xb: {  	[smem:$0x3FB1] =	sst s3  }
0xc: {  	[smem:$0x3FB2] =	sst s4  }
0xd: {  	[smem:$0x3FB3] =	sst s5  }
0xe: {  	[smem:$0x3FB4] =	sst s6  }
0xf: {  	[smem:$0x3FB5] =	sst s7  }
0x10: {  	[smem:$0x3FB6] =	sst s8  }
0x11: {  	[smem:$0x3FB7] =	sst s9;
	s0 =	simm.s32 @!p0 $0x0  }
0x12: {  	s1 =	sld [smem:$0x3F9D];
	s0 =	simm.s32 @p0 $0x1  }
0x13: {  	[smem:$0x3FB8] =	sst s0;
	s0 =	simm.s32 @!p1 $0x0  }
0x14: {  	s2 =	sld [smem:$0x3F9C];
	s0 =	simm.s32 @p1 $0x1  }
0x15: {  	[smem:$0x3FB9] =	sst s0;
	s0 =	simm.s32 @!p2 $0x0  }
0x16: {  	s3 =	sld [smem:$0x3FDB];
	s0 =	simm.s32 @p2 $0x1  }
0x17: {  	s4 =	simm.s32 $0x1BF5;
	[smem:$0x3FBB] =	sst s0  }
0x18: {  	s0 =	sld [smem:$0x3F9E];
	_ =	swait.ge [sflag:s4], $0x0  }
0x19: {  	s7 =	sld [smem:$0x3F9F]  }
0x1a: {  	s8 =	sadd.s32 $0xFFFFE003, lr  }
0x1b: {  	s9 =	sadd.s32 $0xFFFFFEF7, lr;
	s5 =	simm.s32 $0xFFFFFFFF;
	p2 =	slt.u32 s8, $0xFFFFF086  }
0x1c: {  	p1 =	slt.u32 s9, $0xF7A;
	s5 =	simm.s32 @!p2 $0x0  }
0x1d: {  	s5 =	simm.s32 @p1 $0x1;
	p0 =	seq.s32 s7, s2  }
0x1e: {  	s7 =	smul.u32 @!p0 $0xF7A, s2;
	p2 =	seq.s32 @!p0 s5, $0x0  }
0x1f: {  	s9 =	smul.u32 $0xF7A, s1;
	s8 =	simm.s32 @!p0 $0x1BF5;
	p2 =	por !p2, p0  }
0x20: {  	[sflag:s8] =	ssyncset.s32 @!p0 $0xFFFFF086;
	s6 =	sadd.s32 @!p0 s3, s7;
	s7 =	simm.s32 @!p0 $0x108  }
0x21: {  	s3 =	sadd.s32 s3, s9;
	s6 =	sadd.s32 @!p0 $0x88, s6;
	s7 =	simm.s32 @p2 $0x1082  }
0x22: {  	[simem:s7], [sflag:s8] =	dma.local @!p0 [hbm:s6], $0xF7A  }
0x23: {  	s9 =	sor.u32 $0xD0000000, s2;
	s6 =	simm.s32 $0x108;
	_ =	swait.ge @!p0 [sflag:s8], $0x0  }
0x24: {  	s3 =	sadd.s32 $0x88, s3;
	s6 =	simm.s32 @!p1 $0x1082;
	[sflag:s4] =	ssyncset.s32 $0xFFFFF086  }
0x25: {  	[simem:s6], [sflag:s4] =	dma.local [hbm:s3], $0xF7A  }
0x26: {  	[smem:$0x3F9F] =	sst s1;
	(tag) =	ssettag s2;
	_ =	strace s9  }
0x27: {  	s1 =	sld [smem:$0x3FAF]  }
0x28: {  	s2 =	sld [smem:$0x3FB0]  }
0x29: {  	s4 =	sld [smem:$0x3FB2]  }
0x2a: {  	p0 =	seq.s32 s5, $0x0;
	s5 =	sld [smem:$0x3FB3]  }
0x2b: {  	s6 =	sld [smem:$0x3FB4]  }
0x2c: {  	s7 =	sld [smem:$0x3FB5]  }
0x2d: {  	s3 =	simm.s32 $0x108;
	s8 =	sld [smem:$0x3FB6]  }
0x2e: {  	s3 =	simm.s32 @!p0 $0x1082;
	s9 =	sld [smem:$0x3FB7]  }
0x2f: {  	lr =	sadd.s32 s0, s3;
	s0 =	sld [smem:$0x3FAE]  }
0x30: {  	s3 =	sld [smem:$0x3FB1]  }
0x31: {  	[smem:$0x3FBA] =	sst s10  }
0x32: {  	s10 =	sld [smem:$0x3FB8];
	_ =	sdelay $0x3  }
0x33: {  	p0 =	seq.s32 s10, $0x1;
	s10 =	sld [smem:$0x3FBA];
	_ =	sdelay $0x3  }
0x34: {  	[smem:$0x3FBA] =	sst s10  }
0x35: {  	s10 =	sld [smem:$0x3FB9];
	_ =	sdelay $0x3  }
0x36: {  	p1 =	seq.s32 s10, $0x1;
	s10 =	sld [smem:$0x3FBA];
	_ =	sdelay $0x3  }
0x37: {  	[smem:$0x3FBA] =	sst s10  }
0x38: {  	s10 =	sld [smem:$0x3FBB]  }
0x39: {  	_ = 	snop;
	(pc) =	sbr.ind lr, $3  }
0x3a: {  	_ = 	snop  }
0x3b: {  	_ = 	snop  }
0x3c: {  	p2 =	seq.s32 s10, $0x1;
	s10 =	sld [smem:$0x3FBA]  }
0x3d: {  	_ =	shalt  }
0x3e: {  	_ =	shalt  }
0x3f: {  	_ =	shalt  }
0x40: {  	_ =	shalt  }
0x41: {  	_ =	shalt  }
0x42: {  	_ =	shalt  }
0x43: {  	_ =	shalt  }
0x44: {  	_ =	shalt  }
0x45: {  	_ =	shalt  }
0x46: {  	_ =	shalt  }
0x47: {  	_ =	shalt  }
0x48: {  	_ =	shalt  }
0x49: {  	_ =	shalt  }
0x4a: {  	_ =	shalt  }
0x4b: {  	_ =	shalt  }
0x4c: {  	_ =	shalt  }
0x4d: {  	_ =	shalt  }
0x4e: {  	_ =	shalt  }
0x4f: {  	_ =	shalt  }
0x50: {  	_ =	shalt  }
0x51: {  	_ =	shalt  }
0x52: {  	_ =	shalt  }
0x53: {  	_ =	shalt  }
0x54: {  	_ =	shalt  }
0x55: {  	_ =	shalt  }
0x56: {  	_ =	shalt  }
0x57: {  	_ =	shalt  }
0x58: {  	_ =	shalt  }
0x59: {  	_ =	shalt  }
0x5a: {  	_ =	shalt  }
0x5b: {  	_ =	shalt  }
0x5c: {  	_ =	shalt  }
0x5d: {  	_ =	shalt  }
0x5e: {  	_ =	shalt  }
0x5f: {  	_ =	shalt  }
0x60: {  	_ =	shalt  }
0x61: {  	_ =	shalt  }
0x62: {  	_ =	shalt  }
0x63: {  	_ =	shalt  }
0x64: {  	_ =	shalt  }
0x65: {  	_ =	shalt  }
0x66: {  	_ =	shalt  }
0x67: {  	_ =	shalt  }
0x68: {  	_ =	shalt  }
0x69: {  	_ =	shalt  }
0x6a: {  	_ =	shalt  }
0x6b: {  	_ =	shalt  }
0x6c: {  	_ =	shalt  }
0x6d: {  	_ =	shalt  }
0x6e: {  	_ =	shalt  }
0x6f: {  	_ =	shalt  }
0x70: {  	_ =	shalt  }
0x71: {  	_ =	shalt  }
0x72: {  	_ =	shalt  }
0x73: {  	_ =	shalt  }
0x74: {  	_ =	shalt  }
0x75: {  	_ =	shalt  }
0x76: {  	_ =	shalt  }
0x77: {  	_ =	shalt  }
0x78: {  	_ =	shalt  }
0x79: {  	_ =	shalt  }
0x7a: {  	_ =	shalt  }
0x7b: {  	_ =	shalt  }
0x7c: {  	_ =	shalt  }
0x7d: {  	_ =	shalt  }
0x7e: {  	_ =	shalt  }
0x7f: {  	_ =	shalt  }
0x80: {  	_ =	shalt  }
0x81: {  	_ =	shalt  }
0x82: {  	_ =	shalt  }
0x83: {  	_ =	shalt  }
0x84: {  	_ =	shalt  }
0x85: {  	_ =	shalt  }
0x86: {  	_ =	shalt  }
0x87: {  	_ =	shalt  }
.Lfunc_end0:
.L_simem_size_0:
called_computation.2_lowered:
.L_overlay_start_0:
0x88: {  	s2 =	sld [smem:$0x3FD9]  }
0x89: {  	s3 =	sld [smem:$0x3FFE];
	_ =	sdelay $0x1  }
0x8a: {  	s1 =	srdreg.scid  }
0x8b: {  	s0 =	sand.u32 $0x1, s1  }
0x8c: {  	s17 =	sshll.u32 s0, $0xA;
	s2 =	sadd.s32 s3, s2  }
0x8d: {  	s2 =	sadd.s32 s2, s17  }
0x8e: {  	[smem:$0x3FC6] =	sst s2  }
0x8f: {  	_ = 	snop  }
0x90: {  	s2 =	sld [smem:$0x3FD0];
	(tm) =	ssettm $0x1  }
0x91: {  	s18 =	sld [smem:$0x3FFB];
	_ =	sdelay $0x3  }
0x92: {  	_ =	strace s18  }
0x93: {  	s3 =	sld [smem:$0x3FFC];
	_ =	sdelay $0x3  }
0x94: {  	_ =	strace s3  }
0x95: {  	s3 =	sld [smem:$0x3FFD];
	_ =	sdelay $0x3  }
0x96: {  	_ =	strace s3  }
0x97: {  	_ =	strace $0x8FFFFFFF  }
0x98: {  	s19 =	sld [smem:$0x3FDB];
	_ =	sdelay $0x1  }
0x99: {  	s4 =	simm.s32 $_scs_section_size  }
0x9a: {  	s5 =	simm.s32 $_size__tile_overlayer_lowered;
	s6 =	simm.s32 $_tile_overlayer_lowered  }
0x9b: {  	s22 =	simm.s32 $0x1BFF;
	s21 =	sshll.u32 s6, $0x1;
	s3 =	sadd.s32 s4, s19  }
0x9c: {  	s7 =	simm.s32 $0x0;
	s20 =	sshll.u32 s5, $0x1;
	s5 =	sadd.s32 s21, s3  }
0x9d: {  	[timem:s7], [sflag:s22] =	dma.local [hbm:s5], s20  }
0x9e: {  	_ =	swait.ge [sflag:s22], s20  }
0x9f: {  	s4 =	ssub.s32 $0x0, s20;
	[sflag:s22] =	ssyncset.done $0x0  }
0xa0: {  	[sflag:s22] =	ssyncadd.s32 s4;
	_ =	sdelay $0x1  }
0xa1: {  	s23 =	simm.s32 $0x1B8B  }
0xa2: {  	_ =	swait.ge [sflag:s23], $0x1  }
0xa3: {  	[sflag:s23] =	ssyncset.done $0x0  }
0xa4: {  	s25 =	simm.s32 $0x1B8E;
	s24 =	sld [smem:$0x3FFE];
	[sflag:s23] =	ssyncadd.s32 $0xFFFFFFFF  }
0xa5: {  	s26 =	simm.s32 $execute0_lowered;
	[smem:$0x3FD2] =	sst s25  }
0xa6: {  	s5 =	sshll.u32 s26, $0x1;
	_ =	strace $0x80000049;
	[dreg:$0x1] =	wrdreg $0xFFFFFFFF  }
0xa7: {  	s28 =	simm.s32 $_size_execute0_lowered;
	s3 =	sadd.s32 s3, s5;
	[dreg:$0x0] =	wrdreg $0x0  }
0xa8: {  	s5 =	sshll.u32 s28, $0x1;
	[dreg:$0x2] =	wrdreg s3  }
0xa9: {  	[dreg:$0x3] =	wrdreg s5  }
0xaa: {  	[dreg:$0x4] =	wrdreg $0xC0  }
0xab: {  	_ =	task [dreg:s7], $0x5FFFF  }
0xac: {  	[dreg:$0x1] =	wrdreg $0xFFFFFFFF  }
0xad: {  	[dreg:$0x0] =	wrdreg $0x60  }
0xae: {  	[dreg:$0x2] =	wrdreg s24  }
0xaf: {  	[dreg:$0x3] =	wrdreg s2  }
0xb0: {  	[dreg:$0x4] =	wrdreg $0x9  }
0xb1: {  	_ =	task.clear_ibuf [dreg:s7], $0x5FFFF;
	_ =	strace $0x90000049  }
0xb2: {  	s29 =	simm.s32 $0x9;
	_ =	strace $0x8000004B  }
0xb3: {  	_ =	swait.ge [sflag:s29], $0x1  }
0xb4: {  	[sflag:s29] =	ssyncadd.s32 $0xFFFFFFFF  }
0xb5: {  	_ =	strace $0x9000004B  }
0xb6: {  	_ =	sfence  }
0xb7: {  	s30 =	sld [smem:$0x0];
	_ =	sdelay $0x2  }
0xb8: {  	s31 =	sshll.u32 s1, $0xD;
	s1 =	sshrl.u32 s1, $0x2  }
0xb9: {  	s3 =	sand.u32 $0x4000, s31;
	s1 =	sadd.s32 s1, s30  }
0xba: {  	s0 =	sor.u32 s3, s0;
	s1 =	sshll.u32 s1, $0x11  }
0xbb: {  	s0 =	sor.u32 s1, s0  }
0xbc: {  	s0 =	sadd.s32 $0x8F2B, s0  }
0xbd: {  	[sflag:s0] =	ssyncadd.remote.s32 $0x1  }
0xbe: {  	_ =	sfence.sel $0xFFFF  }
0xbf: {  	[dreg:$0x0] =	wrdreg $0xFFFFFFFF;
	(pc) =	sbr.abs _section_cstart, $3  }
0xc0: {  	[dreg:$0x1] =	wrdreg $0xFFFFFFFF  }
0xc1: {  	_ =	task.clear_ibuf [dreg:s7], $0x2FFFF;
	_ =	strace $0x9FFFFFFF  }
0xc2: {  	(tm) =	ssettm $0x7FFFFFFF  }
0xc3: {  	_ =	shalt  }
tec
execute0_lowered:
.L_overlay_start_1:
0x0: {  	(tag) =	ssettag $0x1  }
0x1: {  	s1 =	srdreg.scid  }
0x2: {  	s0 =	stileid.u32;
	s3 =	rddreg [dreg:$0x0]  }
0x3: {  	s5 =	rddreg [dreg:$0x1];
	s2 =	simm.s32 $0x0;
	s12 =	simm.s32 $0x5400  }
0x4: {  	s13 =	simm.s32 $0x1;
	s14 =	simm.s32 $0x6400;
	s15 =	simm.s32 $0x2  }
0x5: {  	s16 =	simm.s32 $0x5;
	s17 =	simm.s32 $0x3;
	s18 =	simm.s32 $0x6  }
0x6: {  	s19 =	simm.s32 $0x4;
	s20 =	simm.s32 $0x7;
	s21 =	simm.s32 $0x8  }
0x7: {  	s22 =	simm.s32 $0x0;
	s4 =	sand.u32 $0x1, s1;
	s7 =	smul.u32 $0xD0, s0  }
0x8: {  	s30 =	sshll.u32 s0, $0x1;
	s1 =	rddreg [dreg:$0x2];
	s10 =	smul.u32 $0x1A000, s0  }
0x9: {  	[smem:$0x7FF] =	sst s2;
	s6 =	sor.u32 s4, s30;
	s8 =	smul.u32 $0x68, s4  }
0xa: {  	_ =	strace $0x8000004A;
	s9 =	ssub.s32 $0x2, s4;
	s31 =	smul.u32 $0xD000, s4  }
0xb: {  	s6 =	smul.u32 $0x680, s6;
	s11 =	sshrl.u32 s9, $0x1;
	s10 =	sadd.s32 s10, s5  }
0xc: {  	s7 =	sadd.s32 s8, s7;
	s9 =	ssub.s32 s9, s11;
	s8 =	sadd.s32 s31, s10  }
0xd: {  	s10 =	simm.s32 $0x3400;
	s11 =	simm.s32 $0x4400;
	s6 =	sadd.s32 s6, s3  }
0xe: {  	s3 =	sadd.s32 $0xE00, s3;
	s7 =	sshll.u32 s7, $0x9;
	[dreg:$0x3] =	wrdreg s8  }
0xf: {  	s8 =	simm.s32 $0x9;
	s4 =	sadd.s32 $0x3D1800, s6;
	s5 =	sadd.s32 s7, s5  }
0x10: {  	s6 =	smax.u32 s9, $0x1;
	s9 =	simm.s32 $0x80;
	s7 =	sadd.s32 $0x400, s5  }
.LBB2_1:
0x11: {  	[tilespmem:s2], [sflag:$0x9] =	stream.linear.gather [hbm4b:s4+s2], $0x3400, $0x38;
	[tilespmem:$0x7400] =	vst v63  }
0x12: {  	_ =	swait.ge [sflag:s8], $0x3400  }
0x13: {  	[sflag:s8] =	ssyncset.done $0x0  }
0x14: {  	p0 =	por $0x1, $0x1;
	[sflag:s8] =	ssyncadd.s32 $0xFFFFCC00  }
0x15: {  	[tilespmem:s10], [sflag:$0x1] =	stream.indirect.gather [hbm4b:s3+s9], $0x20, s2, s9, $0xb8;
	[tilespmem:$0x7400] =	vst v63  }
0x16: {  	s23 =	simm.s32 @!p0 $0x7  }
0x17: {  	[tilespmem:s11], [sflag:$0x2] =	stream.indirect.gather [hbm4b:s3+s9], $0x20, s9, s9, $0xb8;
	[tilespmem:$0x7400] =	vst v63  }
0x18: {  	_ =	swait.ge @!p0 [sflag:s23], $0x1000  }
0x19: {  	[sflag:s23] =	ssyncset.done @!p0 $0x0  }
0x1a: {  	s26 =	simm.s32 $0x100;
	[sflag:s23] =	ssyncadd.s32 @!p0 $0xFFFFF000  }
0x1b: {  	[tilespmem:s12], [sflag:$0x3] =	stream.indirect.gather [hbm4b:s3+s9], $0x20, s26, s9, $0xb8;
	[tilespmem:$0x7400] =	vst v63  }
0x1c: {  	_ =	swait.ge [sflag:s13], $0x1000  }
0x1d: {  	s28 =	rddreg [dreg:$0x3];
	[sflag:s13] =	ssyncset.done $0x0  }
0x1e: {  	s24 =	simm.s32 @!p0 $0x8;
	[sflag:s13] =	ssyncadd.s32 $0xFFFFF000;
	s23 =	sadd.s32 $0x0, s28  }
0x1f: {  	[hbm4b:s23+s2] =	stream.linear.scatter [tilespmem:s10], [sflag:$0x5], $0x1000, $0x38;
	[tilespmem:$0x7400] =	vst v63  }
0x20: {  	_ =	swait.ge @!p0 [sflag:s24], $0x1000  }
0x21: {  	[sflag:s24] =	ssyncset.done @!p0 $0x0  }
0x22: {  	s29 =	simm.s32 $0x180;
	[sflag:s24] =	ssyncadd.s32 @!p0 $0xFFFFF000  }
0x23: {  	[tilespmem:s14], [sflag:$0x4] =	stream.indirect.gather [hbm4b:s3+s9], $0x20, s29, s9, $0xb8;
	[tilespmem:$0x7400] =	vst v63  }
0x24: {  	_ =	swait.ge [sflag:s15], $0x1000  }
0x25: {  	s25 =	sadd.s32 $0x0, s5;
	[sflag:s15] =	ssyncset.done $0x0  }
0x26: {  	s30 =	sadd.s32 $0x200, s25;
	[sflag:s15] =	ssyncadd.s32 $0xFFFFF000  }
0x27: {  	[hbm4b:s30+s2] =	stream.linear.scatter [tilespmem:s11], [sflag:$0x6], $0x1000, $0x38;
	[tilespmem:$0x7400] =	vst v63  }
0x28: {  	p0 =	por $0x0, $0x0;
	_ =	swait.ge [sflag:s16], $0x1000  }
0x29: {  	s23 =	simm.s32 @!p0 $0x3400;
	[sflag:s16] =	ssyncset.done $0x0  }
0x2a: {  	s24 =	simm.s32 @!p0 $0x200;
	s26 =	simm.s32 @!p0 $0x80;
	[sflag:s16] =	ssyncadd.s32 $0xFFFFF000  }
0x2b: {  	[tilespmem:s23], [sflag:$0x1] =	stream.indirect.gather @!p0 [hbm4b:s3+s26], $0x20, s24, s26, $0xb8;
	[tilespmem:$0x7400] =	vst v63  }
0x2c: {  	_ =	swait.ge [sflag:s17], $0x1000  }
0x2d: {  	[sflag:s17] =	ssyncset.done $0x0  }
0x2e: {  	s31 =	sadd.s32 $0x0, s7;
	[sflag:s17] =	ssyncadd.s32 $0xFFFFF000  }
0x2f: {  	[hbm4b:s31+s2] =	stream.linear.scatter [tilespmem:s12], [sflag:$0x7], $0x1000, $0x38;
	[tilespmem:$0x7400] =	vst v63  }
0x30: {  	_ =	swait.ge [sflag:s18], $0x1000  }
0x31: {  	[sflag:s18] =	ssyncset.done $0x0  }
0x32: {  	s23 =	simm.s32 @!p0 $0x280;
	s24 =	simm.s32 @!p0 $0x4400;
	[sflag:s18] =	ssyncadd.s32 $0xFFFFF000  }
0x33: {  	[tilespmem:s24], [sflag:$0x2] =	stream.indirect.gather @!p0 [hbm4b:s3+s26], $0x20, s23, s26, $0xb8;
	[tilespmem:$0x7400] =	vst v63  }
0x34: {  	p1 =	por $0x0, $0x0;
	s23 =	simm.s32 $0x800;
	_ =	swait.ge [sflag:s19], $0x1000  }
0x35: {  	s24 =	simm.s32 $0x1000;
	s26 =	sadd.s32 $0x600, s25;
	[sflag:s19] =	ssyncset.done $0x0  }
.LBB2_2:
0x36: {  	s28 =	simm.s32 @!p1 $0x7;
	[sflag:s19] =	ssyncadd.s32 $0xFFFFF000  }
0x37: {  	[hbm4b:s26+s2] =	stream.linear.scatter [tilespmem:s14], [sflag:$0x8], $0x1000, $0x38;
	[tilespmem:$0x7400] =	vst v63  }
0x38: {  	_ =	swait.ge @!p1 [sflag:s28], $0x1000  }
0x39: {  	s26 =	sshra.s32 s23, $0x2;
	[sflag:s28] =	ssyncset.done @!p1 $0x0  }
0x3a: {  	s30 =	sadd.s32 $0x100, s26;
	[sflag:s28] =	ssyncadd.s32 @!p1 $0xFFFFF000  }
0x3b: {  	[tilespmem:s12], [sflag:$0x3] =	stream.indirect.gather [hbm4b:s3+s9], $0x20, s30, s9, $0xb8;
	[tilespmem:$0x7400] =	vst v63  }
0x3c: {  	_ =	swait.ge [sflag:s13], $0x1000  }
0x3d: {  	s31 =	rddreg [dreg:$0x3];
	[sflag:s13] =	ssyncset.done $0x0  }
0x3e: {  	s29 =	simm.s32 @!p1 $0x8;
	[sflag:s13] =	ssyncadd.s32 $0xFFFFF000;
	s28 =	sadd.s32 s23, s31  }
0x3f: {  	[hbm4b:s28+s2] =	stream.linear.scatter [tilespmem:s10], [sflag:$0x5], $0x1000, $0x38;
	[tilespmem:$0x7400] =	vst v63  }
0x40: {  	_ =	swait.ge @!p1 [sflag:s29], $0x1000  }
0x41: {  	[sflag:s29] =	ssyncset.done @!p1 $0x0  }
0x42: {  	s26 =	sadd.s32 $0x180, s26;
	[sflag:s29] =	ssyncadd.s32 @!p1 $0xFFFFF000  }
0x43: {  	[tilespmem:s14], [sflag:$0x4] =	stream.indirect.gather [hbm4b:s3+s9], $0x20, s26, s9, $0xb8;
	[tilespmem:$0x7400] =	vst v63  }
0x44: {  	_ =	swait.ge [sflag:s15], $0x1000  }
0x45: {  	s26 =	sadd.s32 s23, s5;
	[sflag:s15] =	ssyncset.done $0x0  }
0x46: {  	s29 =	sadd.s32 $0x200, s26;
	[sflag:s15] =	ssyncadd.s32 $0xFFFFF000  }
0x47: {  	[hbm4b:s29+s2] =	stream.linear.scatter [tilespmem:s11], [sflag:$0x6], $0x1000, $0x38;
	[tilespmem:$0x7400] =	vst v63  }
0x48: {  	p1 =	seq.s32 s23, $0xC800;
	_ =	swait.ge [sflag:s16], $0x1000  }
0x49: {  	s28 =	sshra.s32 @!p1 s23, $0x2;
	s31 =	simm.s32 @!p1 $0x80;
	[sflag:s16] =	ssyncset.done $0x0  }
0x4a: {  	s30 =	sadd.s32 @!p1 $0x200, s28;
	s29 =	simm.s32 @!p1 $0x3400;
	[sflag:s16] =	ssyncadd.s32 $0xFFFFF000  }
0x4b: {  	[tilespmem:s29], [sflag:$0x1] =	stream.indirect.gather @!p1 [hbm4b:s3+s31], $0x20, s30, s31, $0xb8;
	[tilespmem:$0x7400] =	vst v63  }
0x4c: {  	_ =	swait.ge [sflag:s17], $0x1000  }
0x4d: {  	s25 =	smov.u32 s24;
	[sflag:s17] =	ssyncset.done $0x0  }
0x4e: {  	s24 =	sadd.s32 $0x800, s24;
	s30 =	sadd.s32 s23, s7;
	[sflag:s17] =	ssyncadd.s32 $0xFFFFF000  }
0x4f: {  	[hbm4b:s30+s2] =	stream.linear.scatter [tilespmem:s12], [sflag:$0x7], $0x1000, $0x38;
	[tilespmem:$0x7400] =	vst v63  }
0x50: {  	p0 =	sne.s32 s24, $0xD000;
	_ =	swait.ge [sflag:s18], $0x1000  }
.Ltmp0:
0x51: {  	s28 =	sadd.s32 @!p1 $0x280, s28;
	[sflag:s18] =	ssyncset.done $0x0;
	(pc) =	sbr.rel @p0 .LBB2_2-.Ltmp0, $4  }
0x52: {  	s23 =	smov.u32 s25;
	s25 =	simm.s32 @!p1 $0x4400;
	[sflag:s18] =	ssyncadd.s32 $0xFFFFF000  }
0x53: {  	[tilespmem:s25], [sflag:$0x2] =	stream.indirect.gather @!p1 [hbm4b:s3+s31], $0x20, s28, s31, $0xb8;
	[tilespmem:$0x7400] =	vst v63  }
0x54: {  	_ =	swait.ge [sflag:s19], $0x1000  }
0x55: {  	s26 =	sadd.s32 $0x600, s26;
	p1 =	seq.s32 s23, $0x0;
	[sflag:s19] =	ssyncset.done $0x0  }
0x56: {  	s24 =	simm.s32 @!p1 $0x7;
	[sflag:s19] =	ssyncadd.s32 $0xFFFFF000  }
0x57: {  	[hbm4b:s26+s2] =	stream.linear.scatter [tilespmem:s14], [sflag:$0x8], $0x1000, $0x38;
	[tilespmem:$0x7400] =	vst v63  }
0x58: {  	_ =	swait.ge @!p1 [sflag:s24], $0x1000  }
0x59: {  	s25 =	sshra.s32 s23, $0x2;
	[sflag:s24] =	ssyncset.done @!p1 $0x0  }
0x5a: {  	s28 =	sadd.s32 $0x100, s25;
	[sflag:s24] =	ssyncadd.s32 @!p1 $0xFFFFF000  }
0x5b: {  	[tilespmem:s12], [sflag:$0x3] =	stream.indirect.gather [hbm4b:s3+s9], $0x20, s28, s9, $0xb8;
	[tilespmem:$0x7400] =	vst v63  }
0x5c: {  	_ =	swait.ge [sflag:s13], $0x1000  }
0x5d: {  	s29 =	rddreg [dreg:$0x3];
	[sflag:s13] =	ssyncset.done $0x0  }
0x5e: {  	s26 =	simm.s32 @!p1 $0x8;
	[sflag:s13] =	ssyncadd.s32 $0xFFFFF000;
	s24 =	sadd.s32 s23, s29  }
0x5f: {  	[hbm4b:s24+s2] =	stream.linear.scatter [tilespmem:s10], [sflag:$0x5], $0x1000, $0x38;
	[tilespmem:$0x7400] =	vst v63  }
0x60: {  	_ =	swait.ge @!p1 [sflag:s26], $0x1000  }
0x61: {  	[sflag:s26] =	ssyncset.done @!p1 $0x0  }
0x62: {  	s30 =	sadd.s32 $0x180, s25;
	[sflag:s26] =	ssyncadd.s32 @!p1 $0xFFFFF000  }
0x63: {  	[tilespmem:s14], [sflag:$0x4] =	stream.indirect.gather [hbm4b:s3+s9], $0x20, s30, s9, $0xb8;
	[tilespmem:$0x7400] =	vst v63  }
0x64: {  	_ =	swait.ge [sflag:s15], $0x1000  }
0x65: {  	s31 =	sadd.s32 s23, s5;
	[sflag:s15] =	ssyncset.done $0x0  }
0x66: {  	p0 =	seq.s32 s23, $0xC800;
	s29 =	sadd.s32 $0x200, s31;
	[sflag:s15] =	ssyncadd.s32 $0xFFFFF000  }
0x67: {  	[hbm4b:s29+s2] =	stream.linear.scatter [tilespmem:s11], [sflag:$0x6], $0x1000, $0x38;
	[tilespmem:$0x7400] =	vst v63  }
0x68: {  	s25 =	sshra.s32 @!p0 s23, $0x2;
	_ =	swait.ge [sflag:s16], $0x1000  }
0x69: {  	s28 =	sadd.s32 @!p0 $0x200, s25;
	[sflag:s16] =	ssyncset.done $0x0  }
0x6a: {  	s26 =	simm.s32 @!p0 $0x3400;
	s29 =	simm.s32 @!p0 $0x80;
	[sflag:s16] =	ssyncadd.s32 $0xFFFFF000  }
0x6b: {  	[tilespmem:s26], [sflag:$0x1] =	stream.indirect.gather @!p0 [hbm4b:s3+s29], $0x20, s28, s29, $0xb8;
	[tilespmem:$0x7400] =	vst v63  }
0x6c: {  	_ =	swait.ge [sflag:s17], $0x1000  }
0x6d: {  	[sflag:s17] =	ssyncset.done $0x0  }
0x6e: {  	s30 =	sadd.s32 s23, s7;
	[sflag:s17] =	ssyncadd.s32 $0xFFFFF000  }
0x6f: {  	[hbm4b:s30+s2] =	stream.linear.scatter [tilespmem:s12], [sflag:$0x7], $0x1000, $0x38;
	[tilespmem:$0x7400] =	vst v63  }
0x70: {  	_ =	swait.ge [sflag:s18], $0x1000  }
0x71: {  	[sflag:s18] =	ssyncset.done $0x0  }
0x72: {  	s23 =	sadd.s32 @!p0 $0x280, s25;
	s25 =	simm.s32 @!p0 $0x4400;
	[sflag:s18] =	ssyncadd.s32 $0xFFFFF000  }
0x73: {  	[tilespmem:s25], [sflag:$0x2] =	stream.indirect.gather @!p0 [hbm4b:s3+s29], $0x20, s23, s29, $0xb8;
	[tilespmem:$0x7400] =	vst v63  }
0x74: {  	_ =	swait.ge [sflag:s19], $0x1000  }
0x75: {  	[sflag:s19] =	ssyncset.done $0x0  }
0x76: {  	s22 =	sadd.s32 $0x1, s22;
	s31 =	sadd.s32 $0x600, s31;
	[sflag:s19] =	ssyncadd.s32 $0xFFFFF000  }
0x77: {  	[hbm4b:s31+s2] =	stream.linear.scatter [tilespmem:s14], [sflag:$0x8], $0x1000, $0x38;
	[tilespmem:$0x7400] =	vst v63  }
0x78: {  	p0 =	sne.s32 s22, s6;
	_ =	swait.ge [sflag:s20], $0x1000  }
.Ltmp1:
0x79: {  	[sflag:s20] =	ssyncset.done $0x0;
	(pc) =	sbr.rel @p0 .LBB2_1-.Ltmp1, $4  }
0x7a: {  	[sflag:s20] =	ssyncadd.s32 $0xFFFFF000  }
0x7b: {  	_ =	swait.ge [sflag:s21], $0x1000  }
0x7c: {  	[sflag:s21] =	ssyncset.done $0x0  }
0x7d: {  	[sflag:s21] =	ssyncadd.s32 $0xFFFFF000  }
0x7e: {  	_ =	sfence.sel $0x180000  }
0x7f: {  	[bflag:$0x0] =	sbarrier.arrive $0xFFFF  }
0x80: {  	p0 =	sne.s32 s0, $0x0;
	_ =	strace $0x9000004A  }
0x81: {  	s0 =	sadd.s32 @!p0 $0x100000, s1;
	[bflag:$0x2] =	sbarrier.arrive $0xFFFF  }
0x82: {  	[sflag:s0] =	ssyncadd.tile.s32 @!p0 $0x1;
	_ =	shalt  }
.Lfunc_end2:
_tile_overlayer_lowered:
.L_overlay_start_2:
0x83: {  	(tag) =	ssettag $0x2  }
0x84: {  	s0 =	rddreg [dreg:$0x0];
	s2 =	stileid.u32  }
0x85: {  	s1 =	rddreg [dreg:$0x1];
	p0 =	sne.s32 s2, $0x0  }
0x86: {  	s3 =	rddreg [dreg:$0x2];
	[bflag:$0x3] =	sbarrier.arrive $0xFFFF;
	s2 =	simm.s32 @!p0 $0x1C09  }
0x87: {  	[timem:s3], [sflag:s2] =	dma.local @!p0 [hbm:s0], s1  }
0x88: {  	s0 =	simm.s32 @!p0 $0x9  }
0x89: {  	_ =	swait.ge @!p0 [sflag:s0], s1  }
0x8a: {  	s1 =	ssub.s32 @!p0 $0x0, s1;
	[sflag:s0] =	ssyncset.done @!p0 $0x0  }
0x8b: {  	[sflag:s0] =	ssyncadd.s32 @!p0 s1  }
0x8c: {  	[bflag:$0x3] =	sbarrier.arrive $0xFFFF  }
0x8d: {  	_ =	shalt  }

// kernel: sparse-core-data-format-call.cloned.1.call-start
scs
called_computation_lowered:
.L_overlay_start_0:
0x0: {  	s2 =	sld [smem:$0x3FD9]  }
0x1: {  	s3 =	sld [smem:$0x3FFE];
	_ =	sdelay $0x1  }
0x2: {  	s1 =	srdreg.scid  }
0x3: {  	s0 =	sand.u32 $0x1, s1  }
0x4: {  	s18 =	sshll.u32 s0, $0xA;
	s2 =	sadd.s32 s3, s2  }
0x5: {  	s2 =	sadd.s32 s2, s18  }
0x6: {  	[smem:$0x3FC6] =	sst s2  }
0x7: {  	_ = 	snop  }
0x8: {  	s2 =	sld [smem:$0x3FD0];
	(tm) =	ssettm $0x1  }
0x9: {  	s19 =	sld [smem:$0x3FFB];
	_ =	sdelay $0x3  }
0xa: {  	_ =	strace s19  }
0xb: {  	s3 =	sld [smem:$0x3FFC];
	_ =	sdelay $0x3  }
0xc: {  	_ =	strace s3  }
0xd: {  	s3 =	sld [smem:$0x3FFD];
	_ =	sdelay $0x3  }
0xe: {  	_ =	strace s3  }
0xf: {  	_ =	strace $0x8FFFFFFF  }
0x10: {  	s20 =	sld [smem:$0x3FDB];
	_ =	sdelay $0x1  }
0x11: {  	s4 =	simm.s32 $_scs_section_size  }
0x12: {  	s5 =	simm.s32 $_size__tile_overlayer_lowered;
	s6 =	simm.s32 $_tile_overlayer_lowered  }
0x13: {  	s23 =	simm.s32 $0x1BFF;
	s22 =	sshll.u32 s6, $0x1;
	s3 =	sadd.s32 s4, s20  }
0x14: {  	s7 =	simm.s32 $0x0;
	s21 =	sshll.u32 s5, $0x1;
	s5 =	sadd.s32 s22, s3  }
0x15: {  	[timem:s7], [sflag:s23] =	dma.local [hbm:s5], s21  }
0x16: {  	_ =	swait.ge [sflag:s23], s21  }
0x17: {  	s4 =	ssub.s32 $0x0, s21;
	[sflag:s23] =	ssyncset.done $0x0  }
0x18: {  	[sflag:s23] =	ssyncadd.s32 s4;
	_ =	sdelay $0x1  }
0x19: {  	s24 =	simm.s32 $0x1B8B  }
0x1a: {  	_ =	swait.ge [sflag:s24], $0x1  }
0x1b: {  	[sflag:s24] =	ssyncset.done $0x0  }
0x1c: {  	s26 =	simm.s32 $0x1B8E;
	s25 =	sld [smem:$0x3FFE];
	[sflag:s24] =	ssyncadd.s32 $0xFFFFFFFF  }
0x1d: {  	s27 =	simm.s32 $execute0_lowered;
	[smem:$0x3FD2] =	sst s26  }
0x1e: {  	s5 =	sshll.u32 s27, $0x1;
	_ =	strace $0x8000004C;
	[dreg:$0x1] =	wrdreg $0xFFFFFFFF  }
0x1f: {  	s28 =	simm.s32 $_size_execute0_lowered;
	s3 =	sadd.s32 s3, s5;
	[dreg:$0x0] =	wrdreg $0x0  }
0x20: {  	s5 =	sshll.u32 s28, $0x1;
	[dreg:$0x2] =	wrdreg s3  }
0x21: {  	[dreg:$0x3] =	wrdreg s5  }
0x22: {  	[dreg:$0x4] =	wrdreg $0xC0  }
0x23: {  	_ =	task [dreg:s7], $0x5FFFF  }
0x24: {  	[dreg:$0x1] =	wrdreg $0xFFFFFFFF  }
0x25: {  	[dreg:$0x0] =	wrdreg $0x60  }
0x26: {  	[dreg:$0x2] =	wrdreg s25  }
0x27: {  	[dreg:$0x3] =	wrdreg s2  }
0x28: {  	[dreg:$0x4] =	wrdreg $0x9  }
0x29: {  	_ =	task.clear_ibuf [dreg:s7], $0x5FFFF;
	_ =	strace $0x9000004C  }
0x2a: {  	s29 =	simm.s32 $0x9;
	_ =	strace $0x8000004E  }
0x2b: {  	_ =	swait.ge [sflag:s29], $0x1  }
0x2c: {  	[sflag:s29] =	ssyncadd.s32 $0xFFFFFFFF  }
0x2d: {  	_ =	strace $0x9000004E  }
0x2e: {  	_ =	sfence  }
0x2f: {  	s30 =	sld [smem:$0x0];
	_ =	sdelay $0x2  }
0x30: {  	s31 =	sshll.u32 s1, $0xD;
	s1 =	sshrl.u32 s1, $0x2  }
0x31: {  	s3 =	sand.u32 $0x4000, s31;
	s1 =	sadd.s32 s1, s30  }
0x32: {  	s0 =	sor.u32 s3, s0;
	s1 =	sshll.u32 s1, $0x11  }
0x33: {  	s0 =	sor.u32 s1, s0  }
0x34: {  	s0 =	sadd.s32 $0x8F2B, s0  }
0x35: {  	[sflag:s0] =	ssyncadd.remote.s32 $0x1  }
0x36: {  	_ =	sfence.sel $0xFFFF  }
0x37: {  	[dreg:$0x0] =	wrdreg $0xFFFFFFFF;
	(pc) =	sbr.abs _section_cstart, $3  }
0x38: {  	[dreg:$0x1] =	wrdreg $0xFFFFFFFF  }
0x39: {  	_ =	task.clear_ibuf [dreg:s7], $0x2FFFF;
	_ =	strace $0x9FFFFFFF  }
0x3a: {  	(tm) =	ssettm $0x7FFFFFFF  }
0x3b: {  	_ =	shalt  }
tec
execute0_lowered:
.L_overlay_start_1:
0x0: {  	(tag) =	ssettag $0x1  }
0x1: {  	s0 =	srdreg.scid  }
0x2: {  	s1 =	sshll.u32 s0, $0x4  }
0x3: {  	s0 =	stileid.u32;
	s1 =	sand.u32 $0x10, s1  }
0x4: {  	s1 =	sor.u32 s0, s1  }
0x5: {  	s6 =	rddreg [dreg:$0x0];
	s4 =	simm.s32 $0x1;
	s2 =	sshll.u32 s1, $0x7  }
0x6: {  	s7 =	simm.s32 $0x2;
	s12 =	simm.s32 $0x0;
	s1 =	ssub.s32 $0x4000, s2  }
0x7: {  	s8 =	simm.s32 $0x20000;
	s13 =	simm.s32 $0x0;
	s3 =	sand.u32 $0xF80, s1  }
0x8: {  	s9 =	simm.s32 $0x0;
	s5 =	sshrl.u32 s1, $0xC;
	p0 =	sne.s32 s3, $0x0  }
.Ltmp0:
0x9: {  	s1 =	rddreg [dreg:$0x2];
	s4 =	simm.s32 @!p0 $0x0;
	(pc) =	sbr.rel .LBB1_1-.Ltmp0, $4  }
0xa: {  	s11 =	simm.s32 $0x0;
	s3 =	rddreg [dreg:$0x1];
	s5 =	sadd.s32 s4, s5  }
0xb: {  	_ =	strace $0x8000004D;
	s4 =	simm.s32 $0x1;
	s5 =	smul.u32 $0x1A, s5  }
0xc: {  	s6 =	sadd.s32 $0xE00, s6;
	s10 =	smov.u32 s2;
	[sflag:s4] =	ssyncpa.u1 $0x0  }
0xd: {  	p0 =	por $0x0, $0x0;
	[sflag:s7] =	ssyncpa.u1 $0x0;
	s7 =	sor.u32 $0x1, s5  }
.LBB1_4:
0xe: {  	s16 =	sshll.u32 s13, $0x3;
	s17 =	sand.u32 $0x78, s13  }
0xf: {  	s30 =	sand.u32 $0xF800, s13;
	s12 =	sshll.u32 s12, $0x10;
	s16 =	sand.u32 $0x3C00, s16  }
0x10: {  	s31 =	sand.u32 $0x7, s13;
	s16 =	sor.u32 s17, s16;
	s17 =	sadd.s32 s3, s30  }
0x11: {  	s13 =	sshll.u32 s31, $0x12;
	s16 =	sshrl.u32 s16, $0x3;
	s12 =	sadd.s32 s12, s17  }
0x12: {  	[tilespmem:s15+$0x0 ss:$0x81] =	vst.msk $0xffff, v0;
	s13 =	sor.u32 $0x400, s13;
	s12 =	sadd.s32 s16, s12  }
0x13: {  	[hbm4b:s12+s13] =	stream.strided.scatter [tilespmem:s14], [sflag:$0x2], $0x1000, s8, s13, $0x20;
	[tilespmem:$0x4040] =	vst v63  }
.LBB1_5:
0x14: {  	s14 =	sadd.s32 $0x1, s9  }
0x15: {  	s12 =	sadd.s32 $0x1000, s10;
	s16 =	smov.u32 s10;
	p2 =	sgt.s32 s14, $0x19  }
0x16: {  	s16 =	smov.u32 @p2 s12  }
0x17: {  	s14 =	simm.s32 @p2 $0x0;
	p2 =	sgt.s32 s16, $0x3FFF  }
0x18: {  	s16 =	smov.u32 @p2 s2;
	p2 =	sne.s32 s11, s7  }
.Ltmp1:
0x19: {  	p1 =	slt.u32 s11, $0x2;
	(pc) =	sbr.rel @!p2 .LBB1_6-.Ltmp1, $4  }
0x1a: {  	s15 =	simm.s32 @!p1 $0x2  }
0x1b: {  	s13 =	smov.u32 s10;
	p0 =	por !p0, !p0;
	_ =	swait.ge @!p1 [sflag:s15], $0x1000  }
0x1c: {  	s12 =	smov.u32 s9;
	[sflag:s15] =	ssyncset.done @!p1 $0x0;
	s9 =	smov.u32 s14  }
0x1d: {  	s11 =	sadd.s32 $0x1, s11;
	[sflag:s15] =	ssyncadd.s32 @!p1 $0xFFFFF000;
	s10 =	smov.u32 s16  }
.LBB1_1:
0x1e: {  	p1 =	sge.u32 s11, s5  }
0x1f: {  	s31 =	sadd.s32 $0xFFFFFFFF, s11;
	s14 =	sxor.u32 @!p1 $0xFFFFFFFF, s11  }
0x20: {  	s15 =	sshll.u32 @!p1 s10, $0x9;
	s16 =	sshll.u32 @!p1 s9, $0x4;
	s17 =	simm.s32 @!p1 $0x1000  }
0x21: {  	s14 =	sshll.u32 @!p1 s14, $0xC;
	s16 =	sand.u32 @!p1 $0x1F0, s16;
	s15 =	sadd.s32 @!p1 s6, s15  }
0x22: {  	s14 =	sand.u32 @!p1 $0x1000, s14;
	s15 =	sadd.s32 @!p1 s16, s15;
	s16 =	simm.s32 @!p1 $0x20  }
0x23: {  	[tilespmem:s14], [sflag:$0x1] =	stream.strided.gather @!p1 [hbm4b:s15+s16], $0x1000, s17, s16, $0x38;
	[tilespmem:$0x4040] =	vst v63  }
0x24: {  	p1 =	sge.u32 s31, s5  }
.Ltmp2:
0x25: {  	_ = 	snop;
	(pc) =	sbr.rel @p1 .LBB1_5-.Ltmp2, $1  }
0x26: {  	_ =	sdelay $0x3  }
0x27: {  	s14 =	simm.s32 $0x1  }
0x28: {  	_ =	swait.ge [sflag:s4], $0x1000;
	s14 =	simm.s32 @!p0 $0x0  }
0x29: {  	[sflag:s4] =	ssyncset.done $0x0;
	s15 =	sshll.u32 s14, $0xC  }
0x2a: {  	[sflag:s4] =	ssyncadd.s32 $0xFFFFF000;
	s18 =	sor.u32 $0x10, s15  }
0x2b: {  	s14 =	smul.u32 $0x4080, s14;
	v1 =	vld [tilespmem:s18+$0x0]  }
0x2c: {  	s30 =	sand.u32 $0x1, s11;
	v0 =	vld [tilespmem:s18+$0xFFFFFFF0]  }
0x2d: {  	s15 =	smul.u32 $0x4080, s30;
	s14 =	sshrl.u32 s14, $0x2  }
0x2e: {  	s16 =	sor.u32 $0x2000, s14  }
0x2f: {  	s31 =	sshrl.u32 s15, $0x2;
	s15 =	sadd.s32 $0x0, s16  }
0x30: {  	s17 =	simm.s32 $0x4;
	s18 =	sadd.s32 $0x20, s18;
	s14 =	sor.u32 $0x2000, s31;
	[tilespmem:s15+$0x810 ss:$0x81] =	vst.msk $0xffff, v1  }
.LBB1_3:
0x31: {  	v1 =	vld [tilespmem:s18+$0x0];
	p1 =	sne.s32 s17, $0x1FC;
	[tilespmem:s15+$0x0 ss:$0x81] =	vst.msk $0xffff, v0;
	s15 =	smov.u32 s17;
	s17 =	sadd.s32 $0x4, s17  }
.Ltmp3:
0x32: {  	v0 =	vld [tilespmem:s18+$0xFFFFFFF0];
	(pc) =	sbr.rel @p1 .LBB1_3-.Ltmp3, $4  }
0x33: {  	_ = 	snop  }
0x34: {  	s15 =	sshra.s32 s15, $0x2  }
0x35: {  	s15 =	sadd.s32 s15, s16  }
0x36: {  	s18 =	sadd.s32 $0x20, s18;
	[tilespmem:s15+$0x810 ss:$0x81] =	vst.msk $0xffff, v1  }
.Ltmp4:
0x37: {  	_ = 	snop;
	(pc) =	sbr.rel .LBB1_4-.Ltmp4, $1  }
0x38: {  	_ =	sdelay $0x3  }
.LBB1_6:
0x39: {  	_ =	sfence.sel $0x180000  }
0x3a: {  	s2 =	simm.s32 $0x1;
	[bflag:$0x0] =	sbarrier.arrive $0xFFFF  }
0x3b: {  	s31 =	simm.s32 $0x2;
	[sflag:s2] =	ssyncpa.u1 $0x1  }
0x3c: {  	[sflag:s31] =	ssyncpa.u1 $0x1  }
0x3d: {  	p0 =	sne.s32 s0, $0x0;
	_ =	strace $0x9000004D  }
0x3e: {  	s0 =	sadd.s32 @!p0 $0x100000, s1;
	[bflag:$0x2] =	sbarrier.arrive $0xFFFF  }
0x3f: {  	[sflag:s0] =	ssyncadd.tile.s32 @!p0 $0x1;
	_ =	shalt  }
.Lfunc_end1:
_tile_overlayer_lowered:
.L_overlay_start_2:
0x40: {  	(tag) =	ssettag $0x2  }
0x41: {  	s0 =	rddreg [dreg:$0x0];
	s2 =	stileid.u32  }
0x42: {  	s1 =	rddreg [dreg:$0x1];
	p0 =	sne.s32 s2, $0x0  }
0x43: {  	s3 =	rddreg [dreg:$0x2];
	[bflag:$0x3] =	sbarrier.arrive $0xFFFF;
	s2 =	simm.s32 @!p0 $0x1C01  }
0x44: {  	[timem:s3], [sflag:s2] =	dma.local @!p0 [hbm:s0], s1  }
0x45: {  	s0 =	simm.s32 @!p0 $0x1  }
0x46: {  	_ =	swait.ge @!p0 [sflag:s0], s1  }
0x47: {  	s1 =	ssub.s32 @!p0 $0x0, s1;
	[sflag:s0] =	ssyncset.done @!p0 $0x0  }
0x48: {  	[sflag:s0] =	ssyncadd.s32 @!p0 s1  }
0x49: {  	[bflag:$0x3] =	sbarrier.arrive $0xFFFF  }
0x4a: {  	_ =	shalt  }

</sc_bundles>
